<compile_context>
chip_gen: v7x
topology: tpu7x:2x2x1
jax: 0.10.2.dev20260603
libtpu: 0.0.44.dev20260713+nightly
codegen_flags: <defaults>
</compile_context>

<pallas_src>
import functools
import math

import numpy as np

import jax
import jax.numpy as jnp
from jax import lax
from jax.experimental import pallas as pl
from jax.experimental.pallas import tpu as pltpu
from jax.experimental.pallas import tpu_sc as plsc

STD2 = 0.1
VAR2 = STD2 * STD2
LOG_VAR2 = float(math.log(VAR2))
LN_EPS = 1e-5

N_Q = 8
N_R = 4096
D_IN = 384
D_CTX = 128
HID = 64
RB = 2048
NB = N_R // RB

_ROT1 = (13, 15, 26, 6)
_ROT2 = (17, 29, 16, 24)


def _np_rotl(x, r):
    return ((x << np.uint32(r)) | (x >> np.uint32(32 - r))).astype(np.uint32)


def _np_tf_pair(key, x0, x1):
    ks0, ks1 = np.uint32(key[0]), np.uint32(key[1])
    ks2 = np.uint32(ks0 ^ ks1 ^ np.uint32(0x1BD11BDA))
    x0 = (x0 + ks0).astype(np.uint32)
    x1 = (x1 + ks1).astype(np.uint32)
    for rots, a0, a1, c in [(_ROT1, ks1, ks2, 1), (_ROT2, ks2, ks0, 2),
                            (_ROT1, ks0, ks1, 3), (_ROT2, ks1, ks2, 4),
                            (_ROT1, ks2, ks0, 5)]:
        for r in rots:
            x0 = (x0 + x1).astype(np.uint32)
            x1 = _np_rotl(x1, r)
            x1 = (x1 ^ x0).astype(np.uint32)
        x0 = (x0 + a0).astype(np.uint32)
        x1 = (x1 + a1 + np.uint32(c)).astype(np.uint32)
    return x0, x1


def _np_fold_in(key, i):
    o0, o1 = _np_tf_pair(key, np.array([0], np.uint32),
                         np.array([i], np.uint32))
    return np.array([o0[0], o1[0]], np.uint32)


def _np_rnd(i):
    kf = _np_fold_in(_np_fold_in(np.array([0, 2], np.uint32), i), 0)
    o0, o1 = _np_tf_pair(kf, np.zeros(1, np.uint32), np.zeros(1, np.uint32))
    fb = (((o0 ^ o1) >> np.uint32(9)) | np.uint32(0x3F800000)).view(np.float32)
    return float(np.maximum(np.float32(0.0),
                            (fb - np.float32(1.0)).astype(np.float32))[0])

_RND = np.array([[_np_rnd(i) for i in range(N_Q)]], np.float32)


def _np_erfinv32(x):
    x = x.astype(np.float32)
    w = (-np.log1p((-x * x).astype(np.float32))).astype(np.float32)
    w1 = (w - np.float32(2.5)).astype(np.float32)
    p1 = np.float32(2.81022636e-08)
    for c in [3.43273939e-07, -3.5233877e-06, -4.39150654e-06, 0.00021858087,
              -0.00125372503, -0.00417768164, 0.246640727, 1.50140941]:
        p1 = (np.float32(c) + p1 * w1).astype(np.float32)
    w2 = (np.sqrt(w).astype(np.float32) - np.float32(3.0)).astype(np.float32)
    with np.errstate(invalid="ignore"):
        p2 = np.float32(-0.000200214257)
        for c in [0.000100950558, 0.00134934322, -0.00367342844,
                  0.00573950773, -0.0076224613, 0.00943887047, 1.00167406,
                  2.83297682]:
            p2 = (np.float32(c) + p2 * w2).astype(np.float32)
    p = np.where(w < np.float32(5.0), p1, p2).astype(np.float32)
    return (p * x).astype(np.float32)


def _np_eps():
    lo = np.float32(np.nextafter(np.float32(-1), np.float32(0)))
    hi = np.float32(1.0)
    s2 = np.float32(np.sqrt(np.float64(2.0)))
    e = np.arange(N_R * HID, dtype=np.uint32)
    out = np.empty((N_Q, N_R, HID), np.float32)
    for i in range(N_Q):
        kq = _np_fold_in(np.array([0, 1], np.uint32), i)
        o0, o1 = _np_tf_pair(kq, np.zeros_like(e), e)
        bits = o0 ^ o1
        fb = ((bits >> np.uint32(9)) | np.uint32(0x3F800000)).view(np.float32)
        u = ((fb - np.float32(1.0)) * (hi - lo) + lo).astype(np.float32)
        u = np.maximum(lo, u)
        out[i] = (s2 * _np_erfinv32(u)).reshape(N_R, HID)
    return out


_EPS_CONST = _np_eps()

def _shr(x, s):
    n = x.shape[-1]
    return jnp.concatenate([x[:, n - s:], x[:, :n - s]], axis=1)


def _bk_cumsum(x, iota):
    for d in range(12):
        s = 1 << d
        m = (iota & (2 * s - 1)) == (2 * s - 1)
        x = jnp.where(m, x + _shr(x, s), x)
    for d in range(10, -1, -1):
        s = 1 << d
        m = ((iota & (2 * s - 1)) == (s - 1)) & (iota >= 3 * s - 1)
        x = jnp.where(m, x + _shr(x, s), x)
    return x


def _ln(x):
    mu = jnp.mean(x, axis=-1, keepdims=True)
    var = jnp.mean((x - mu) * (x - mu), axis=-1, keepdims=True)
    return (x - mu) / jnp.sqrt(var + LN_EPS)


def _nrm(x):
    n = jnp.sqrt(jnp.sum(x * x, axis=1, keepdims=True))
    return x / jnp.maximum(n, 1e-12)


def _body(roles_ref, ctx_ref, agent_ref, init_ref,
          w1_ref, b1_ref, w21_ref, b21_ref, w22_ref, b22_ref,
          w3_ref, b3_ref, w4_ref, b4_ref, cw_ref, cb_ref,
          eps_ref,
          cs_ref, ls_ref, sum_ref, loss_ref,
          ctx_scr, log_scr, acc_ref):
    i = pl.program_id(0)
    j = pl.program_id(1)

    @pl.when(j == 0)
    def _prologue():
        init = init_ref[...]
        hn = _ln(init + init)
        act = agent_ref[0, i] > 0
        sum_ref[pl.ds(i, 1), :] = jnp.where(act, hn, init)
        ce = (ctx_ref[0] @ cw_ref[:D_CTX, :]
              + hn @ cw_ref[D_CTX:, :] + cb_ref[...])
        ctx_scr[...] = _nrm(ce)
        acc_ref[0, 0] = 0.0
        acc_ref[0, 1] = 0.0

        @pl.when(i == 0)
        def _():
            acc_ref[0, 2] = 0.0

    roles = roles_ref[0]
    h = jnp.maximum(roles @ w1_ref[...] + b1_ref[...], 0.0)
    mu = h @ w21_ref[...] + b21_ref[...]
    lv = h @ w22_ref[...] + b22_ref[...]
    ex = jnp.exp(0.5 * lv)
    z = mu + eps_ref[0] * (ex * STD2)
    h2 = jnp.maximum(z @ w3_ref[...] + b3_ref[...], 0.0)
    xh = h2 @ w4_ref[...] + b4_ref[...]
    d = xh - roles
    acc_ref[0, 0] += jnp.sum(d * d)
    kterm = 1.0 - LOG_VAR2 + lv - (mu * mu + ex * ex) / VAR2
    acc_ref[0, 1] += jnp.sum(kterm)

    re = _nrm(z)
    lgt = lax.dot_general(ctx_scr[...], re,
                          (((1,), (1,)), ((), ())),
                          preferred_element_type=jnp.float32)
    log_scr[0:1, pl.ds(j * RB, RB)] = lgt

    @pl.when(j == NB - 1)
    def _sample():
        lg = log_scr[...]
        e = jnp.exp(lg - jnp.max(lg))
        sc = e / jnp.sum(e)
        iota = lax.broadcasted_iota(jnp.int32, (1, N_R), 1)
        cs_ref[0] = _bk_cumsum(sc, iota)
        ls_ref[0] = jnp.log(sc)
        mse = acc_ref[0, 0] / (N_R * D_IN)
        kld = -0.5 * (acc_ref[0, 1] / (N_R * HID))
        acc_ref[0, 2] += mse + kld

        @pl.when(i == N_Q - 1)
        def _():
            loss_ref[0, 0] = acc_ref[0, 2] / N_Q


L = 16


def _sc_sample(cs_all, logsc_all, rnd_b, act_b):
    mesh = plsc.VectorSubcoreMesh(core_axis_name="c", subcore_axis_name="s")
    nc = plsc.get_sparse_core_info().num_cores

    @functools.partial(
        pl.kernel, mesh=mesh,
        out_type=[jax.ShapeDtypeStruct((N_Q, L), jnp.int32),
                  jax.ShapeDtypeStruct((N_Q, L), jnp.float32)],
        scratch_types=[pltpu.VMEM((N_R,), jnp.float32),
                       pltpu.VMEM((N_R,), jnp.float32),
                       pltpu.VMEM((L,), jnp.float32),
                       pltpu.VMEM((L,), jnp.float32),
                       pltpu.VMEM((L,), jnp.int32),
                       pltpu.VMEM((L,), jnp.float32),
                       pltpu.VMEM((2 * L,), jnp.float32)],
    )
    def k(cs_hbm, ls_hbm, rnd_hbm, act_hbm, sel_hbm, lp_hbm,
          cs_v, ls_v, rnd_v, act_v, osel_v, olp_v, buf_v):
        wid = lax.axis_index("s") * nc + lax.axis_index("c")

        @pl.when(wid < N_Q)
        def _():
            pltpu.sync_copy(cs_hbm.at[wid], cs_v)
            pltpu.sync_copy(ls_hbm.at[wid], ls_v)
            pltpu.sync_copy(rnd_hbm.at[wid], rnd_v)
            pltpu.sync_copy(act_hbm.at[wid], act_v)
            rnd = rnd_v[...]
            zl = jnp.zeros((L,), jnp.float32)

            def _count(kk, cnt):
                v = cs_v[pl.ds(kk * L, L)]
                return cnt + jnp.where(v <= rnd, 1.0, 0.0)

            cnt = lax.fori_loop(0, N_R // L, _count, zl)

            buf_v[pl.ds(L, L)] = zl
            v = cnt
            for s in (8, 4, 2, 1):
                buf_v[pl.ds(0, L)] = v
                v = v + buf_v[pl.ds(s, L)]
            base = lax.iota(jnp.int32, L).astype(jnp.float32)
            v = jnp.where(base == 0.0, v, 0.0)
            for s in (1, 2, 4, 8):
                buf_v[pl.ds(0, L)] = zl
                buf_v[pl.ds(s, L)] = v
                v = v + buf_v[pl.ds(0, L)]
            sel_f = jnp.where(v >= float(N_R), 0.0, v)

            def _pick(kk, st):
                lpv, idxv = st
                lsv = ls_v[pl.ds(kk * L, L)]
                return (lpv + jnp.where(idxv == sel_f, lsv, 0.0),
                        idxv + float(L))

            lpv, _ = lax.fori_loop(0, N_R // L, _pick, (zl, base))
            osel_v[...] = sel_f.astype(jnp.int32)
            olp_v[...] = act_v[...] * lpv
            pltpu.sync_copy(osel_v, sel_hbm.at[wid])
            pltpu.sync_copy(olp_v, lp_hbm.at[wid])

    return k(cs_all, logsc_all, rnd_b, act_b)


def kernel(roles_list, contexts, agent_num_int, init_role_embedding,
           fc1_W, fc1_b, fc21_W, fc21_b, fc22_W, fc22_b,
           fc3_W, fc3_b, fc4_W, fc4_b, ctx_W, ctx_b):
    eps = jnp.asarray(_EPS_CONST)

    full = lambda shape: pl.BlockSpec(shape, lambda i, j: (0,) * len(shape))
    smem = pl.BlockSpec(memory_space=pltpu.SMEM)

    out = pl.pallas_call(
        _body,
        grid=(N_Q, NB),
        in_specs=[
            pl.BlockSpec((1, RB, D_IN), lambda i, j: (i, j, 0)),
            pl.BlockSpec((1, 1, D_CTX), lambda i, j: (i, 0, 0)),
            smem,
            full((1, HID)),
            full((D_IN, HID)), full((1, HID)),
            full((HID, HID)), full((1, HID)),
            full((HID, HID)), full((1, HID)),
            full((HID, HID)), full((1, HID)),
            full((HID, D_IN)), full((1, D_IN)),
            full((D_CTX + HID, HID)), full((1, HID)),
            pl.BlockSpec((1, RB, HID), lambda i, j: (i, j, 0)),
        ],
        out_specs=[
            pl.BlockSpec((1, 1, N_R), lambda i, j: (i, 0, 0)),
            pl.BlockSpec((1, 1, N_R), lambda i, j: (i, 0, 0)),
            full((N_Q, HID)),
            smem,
        ],
        out_shape=[
            jax.ShapeDtypeStruct((N_Q, 1, N_R), jnp.float32),
            jax.ShapeDtypeStruct((N_Q, 1, N_R), jnp.float32),
            jax.ShapeDtypeStruct((N_Q, HID), jnp.float32),
            jax.ShapeDtypeStruct((1, 1), jnp.float32),
        ],
        scratch_shapes=[
            pltpu.VMEM((1, HID), jnp.float32),
            pltpu.VMEM((1, N_R), jnp.float32),
            pltpu.SMEM((1, 4), jnp.float32),
        ],
        compiler_params=pltpu.CompilerParams(
            dimension_semantics=("arbitrary", "arbitrary")),
    )(roles_list, contexts.reshape(N_Q, 1, D_CTX),
      agent_num_int.reshape(1, N_Q),
      init_role_embedding, fc1_W, fc1_b.reshape(1, HID),
      fc21_W, fc21_b.reshape(1, HID), fc22_W, fc22_b.reshape(1, HID),
      fc3_W, fc3_b.reshape(1, HID), fc4_W, fc4_b.reshape(1, D_IN),
      ctx_W, ctx_b.reshape(1, HID), eps)

    cs3, ls3, summary_role, loss = out
    act = (agent_num_int > 0).astype(jnp.float32)
    rnd_b = jnp.tile(jnp.asarray(_RND).reshape(N_Q, 1), (1, L))
    act_b = jnp.tile(act.reshape(N_Q, 1), (1, L))
    sel8, lp8 = _sc_sample(cs3.reshape(N_Q, N_R), ls3.reshape(N_Q, N_R),
                           rnd_b, act_b)
    return (sel8[:, 0].reshape(N_Q, 1, 1),
            jnp.sum(lp8, axis=1, keepdims=True),
            summary_role, loss.reshape(()))

# --- scband reference (transcript-rebuilt; emitter-appended) ---
"""Pipeline reference for scband-role-allocation-7773890806138 (READ-ONLY COPY).

The authoritative reference and input builder live on the scoring server;
editing this copy changes nothing except your own understanding.
"""

import jax, jax.numpy as jnp
import numpy as np

STD2 = 0.1
VAR2 = STD2 * STD2
LOG_VAR2 = float(np.log(VAR2))
LN_EPS = 1e-5


def _normalize(x, axis):
    n = jnp.sqrt(jnp.sum(x * x, axis=axis, keepdims=True))
    return x / jnp.maximum(n, 1e-12)


def _layer_norm(x):
    mu = jnp.mean(x, axis=-1, keepdims=True)
    var = jnp.var(x, axis=-1, keepdims=True)
    return (x - mu) / jnp.sqrt(var + LN_EPS)


def _lin_init(k, fin, fout):
    b = 1.0 / np.sqrt(fin)
    k1, k2 = jax.random.split(k)
    W = jax.random.uniform(k1, (fin, fout), jnp.float32, -b, b)
    bias = jax.random.uniform(k2, (fout,), jnp.float32, -b, b)
    return W, bias


def setup_inputs(seed: int = 0):
    key = jax.random.key(seed)
    ks = jax.random.split(key, 12)
    N_q, N_r, input_dim, ctx_dim, hid = 8, 4096, 384, 128, 64
    inp = {}
    inp['roles_list'] = jax.random.normal(ks[0], (N_q, N_r, input_dim), jnp.float32)
    inp['contexts'] = jax.random.normal(ks[1], (N_q, ctx_dim), jnp.float32)
    inp['agent_num_int'] = jnp.ones((N_q,), jnp.int32)
    inp['init_role_embedding'] = jnp.zeros((1, hid), jnp.float32)
    inp['fc1_W'], inp['fc1_b'] = _lin_init(ks[2], input_dim, hid)
    inp['fc21_W'], inp['fc21_b'] = _lin_init(ks[3], hid, hid)
    inp['fc22_W'], inp['fc22_b'] = _lin_init(ks[4], hid, hid)
    inp['fc3_W'], inp['fc3_b'] = _lin_init(ks[5], hid, hid)
    inp['fc4_W'], inp['fc4_b'] = _lin_init(ks[6], hid, input_dim)
    inp['ctx_W'], inp['ctx_b'] = _lin_init(ks[7], ctx_dim + hid, hid)
    return inp


def reference(roles_list, contexts, agent_num_int, init_role_embedding,
              fc1_W, fc1_b, fc21_W, fc21_b, fc22_W, fc22_b,
              fc3_W, fc3_b, fc4_W, fc4_b, ctx_W, ctx_b):
    temp = 1.0
    N_q = roles_list.shape[0]
    max_steps = 1
    eps_key = jax.random.key(1)
    rand_key = jax.random.key(2)
    log_probs = []
    summary_list = []
    selected_all = []
    vae_loss_total = 0.0
    for i in range(N_q):
        roles = roles_list[i]
        h = jax.nn.relu(roles @ fc1_W + fc1_b)
        mu = h @ fc21_W + fc21_b
        log_var = h @ fc22_W + fc22_b
        std = jnp.exp(0.5 * log_var) * STD2
        eps = jax.random.normal(jax.random.fold_in(eps_key, i), std.shape, jnp.float32)
        z = mu + eps * std
        h2 = jax.nn.relu(z @ fc3_W + fc3_b)
        x_hat = h2 @ fc4_W + fc4_b
        mse = jnp.mean((x_hat - roles) ** 2)
        kld = -0.5 * jnp.mean(1.0 - LOG_VAR2 + log_var - (mu ** 2 + jnp.exp(log_var)) / VAR2)
        vae_loss_total = vae_loss_total + mse + kld
        role_embedding = _normalize(z, 1)
        current = init_role_embedding
        history = init_role_embedding
        lp = jnp.float32(0.0)
        sel_list = []
        for j in range(max_steps):
            active = (j < agent_num_int[i]).astype(jnp.float32)
            history_new = _layer_norm(history + current)
            ctx_emb = jnp.concatenate([contexts[i][None, :], history_new], axis=1) @ ctx_W + ctx_b
            ctx_emb = _normalize(ctx_emb, 1)
            scores = jax.nn.softmax((ctx_emb @ role_embedding.T) / temp, axis=1)
            cs = jnp.cumsum(scores, axis=1)
            rnd = jax.random.uniform(jax.random.fold_in(jax.random.fold_in(rand_key, i), j), (1, 1), jnp.float32)
            sel = jnp.argmax((cs > rnd).astype(jnp.float32), axis=1)
            sel = jnp.where(active > 0, sel, sel)
            lp = lp + active * jnp.log(scores[0, sel[0]])
            history = jnp.where(active > 0, history_new, history)
            current = jnp.where(active > 0, role_embedding[sel], current)
            sel_list.append(sel)
        log_probs.append(lp)
        summary_list.append(history)
        selected_all.append(jnp.stack(sel_list, axis=0))
    log_probs = jnp.stack(log_probs)[:, None]
    summary_role = jnp.concatenate(summary_list, axis=0)
    selected = jnp.stack(selected_all, axis=0)
    return (selected, log_probs, summary_role, vae_loss_total / N_q)

if __name__ == "__main__":
    import jax
    _d = setup_inputs()
    print(jax.jit(kernel)(*tuple(_d.values())))

</pallas_src>

<mosaic_0001>
#map = affine_map<(d0, d1) -> (0, 0)>
module attributes {stable_mosaic.version = 14 : i64} {
  func.func @k(%arg0: i32, %arg1: i32, %arg2: memref<8x4096xf32, #tpu.memory_space<hbm>>, %arg3: memref<8x4096xf32, #tpu.memory_space<hbm>>, %arg4: memref<8x16xf32, #tpu.memory_space<hbm>>, %arg5: memref<8x16xf32, #tpu.memory_space<hbm>>, %arg6: memref<8x16xi32, #tpu.memory_space<hbm>>, %arg7: memref<8x16xf32, #tpu.memory_space<hbm>>, %arg8: memref<4096xf32, #tpu.memory_space<vmem>>, %arg9: memref<4096xf32, #tpu.memory_space<vmem>>, %arg10: memref<16xf32, #tpu.memory_space<vmem>>, %arg11: memref<16xf32, #tpu.memory_space<vmem>>, %arg12: memref<16xi32, #tpu.memory_space<vmem>>, %arg13: memref<16xf32, #tpu.memory_space<vmem>>, %arg14: memref<32xf32, #tpu.memory_space<vmem>>) attributes {dimension_semantics = [#tpu.dimension_semantics<core_parallel>, #tpu.dimension_semantics<subcore_parallel>], iteration_bounds = array<i64: 2, 16>, scalar_prefetch = 0 : i64, scratch_operands = 7 : i64, tpu.core_type = #tpu.core_type<sc_vector_subcore>, window_params = [{transform_indices = #map}, {transform_indices = #map}, {transform_indices = #map}, {transform_indices = #map}, {transform_indices = #map}, {transform_indices = #map}]} {
    %mul3A = arith.constant 2 : i32
    %mul3A_0 = arith.muli %arg1, %mul3A : i32
    %add3A = arith.addi %mul3A_0, %arg0 : i32
    %lt3A = arith.constant 8 : i32
    %lt3A_1 = arith.cmpi slt, %add3A, %lt3A : i32
    %convert_element_type3A = arith.extui %lt3A_1 : i1 to i32
    %cond3A = arith.constant 0 : i32
    %cond3A_2 = arith.cmpi ne, %convert_element_type3A, %cond3A : i32
    scf.if %cond3A_2 {
      "tpu.region"() ({
        %run_scoped3A = tpu.sem_alloc : memref<!tpu.dma_semaphore, #tpu.memory_space<semaphore_mem>>
        %dma_start3A = arith.constant 0 : i32
        %dma_start3A_122 = tpu.memref_slice %arg2[%add3A, %dma_start3A] : memref<8x4096xf32, #tpu.memory_space<hbm>> -> memref<1x4096xf32, #tpu.memory_space<hbm>>
        %dma_start3A_123 = tpu.memref_squeeze %dma_start3A_122 : memref<1x4096xf32, #tpu.memory_space<hbm>> -> memref<4096xf32, #tpu.memory_space<hbm>>
        %dma_start3A_124 = arith.constant 0 : i32
        %dma_start3A_125 = tpu.memref_slice %arg2[%add3A, %dma_start3A_124] : memref<8x4096xf32, #tpu.memory_space<hbm>> -> memref<1x4096xf32, #tpu.memory_space<hbm>>
        %dma_start3A_126 = tpu.memref_squeeze %dma_start3A_125 : memref<1x4096xf32, #tpu.memory_space<hbm>> -> memref<4096xf32, #tpu.memory_space<hbm>>
        tpu.enqueue_dma source(%dma_start3A_126 : memref<4096xf32, #tpu.memory_space<hbm>>) target(%arg8 : memref<4096xf32, #tpu.memory_space<vmem>>) target_semaphore(%run_scoped3A : memref<!tpu.dma_semaphore, #tpu.memory_space<semaphore_mem>>)
        %dma_wait3A = arith.constant 0 : i32
        %dma_wait3A_127 = tpu.memref_slice %arg2[%add3A, %dma_wait3A] : memref<8x4096xf32, #tpu.memory_space<hbm>> -> memref<1x4096xf32, #tpu.memory_space<hbm>>
        %dma_wait3A_128 = tpu.memref_squeeze %dma_wait3A_127 : memref<1x4096xf32, #tpu.memory_space<hbm>> -> memref<4096xf32, #tpu.memory_space<hbm>>
        %dma_wait3A_129 = arith.constant 0 : i32
        %dma_wait3A_130 = tpu.memref_slice %arg2[%add3A, %dma_wait3A_129] : memref<8x4096xf32, #tpu.memory_space<hbm>> -> memref<1x4096xf32, #tpu.memory_space<hbm>>
        %dma_wait3A_131 = tpu.memref_squeeze %dma_wait3A_130 : memref<1x4096xf32, #tpu.memory_space<hbm>> -> memref<4096xf32, #tpu.memory_space<hbm>>
        tpu.wait_dma2 semaphore(%run_scoped3A : memref<!tpu.dma_semaphore, #tpu.memory_space<semaphore_mem>>) src(%dma_wait3A_131 : memref<4096xf32, #tpu.memory_space<hbm>>) dst(%arg8 : memref<4096xf32, #tpu.memory_space<vmem>>)
        tpu.yield
      }) : () -> ()
      "tpu.region"() ({
        %run_scoped3A = tpu.sem_alloc : memref<!tpu.dma_semaphore, #tpu.memory_space<semaphore_mem>>
        %dma_start3A = arith.constant 0 : i32
        %dma_start3A_122 = tpu.memref_slice %arg3[%add3A, %dma_start3A] : memref<8x4096xf32, #tpu.memory_space<hbm>> -> memref<1x4096xf32, #tpu.memory_space<hbm>>
        %dma_start3A_123 = tpu.memref_squeeze %dma_start3A_122 : memref<1x4096xf32, #tpu.memory_space<hbm>> -> memref<4096xf32, #tpu.memory_space<hbm>>
        %dma_start3A_124 = arith.constant 0 : i32
        %dma_start3A_125 = tpu.memref_slice %arg3[%add3A, %dma_start3A_124] : memref<8x4096xf32, #tpu.memory_space<hbm>> -> memref<1x4096xf32, #tpu.memory_space<hbm>>
        %dma_start3A_126 = tpu.memref_squeeze %dma_start3A_125 : memref<1x4096xf32, #tpu.memory_space<hbm>> -> memref<4096xf32, #tpu.memory_space<hbm>>
        tpu.enqueue_dma source(%dma_start3A_126 : memref<4096xf32, #tpu.memory_space<hbm>>) target(%arg9 : memref<4096xf32, #tpu.memory_space<vmem>>) target_semaphore(%run_scoped3A : memref<!tpu.dma_semaphore, #tpu.memory_space<semaphore_mem>>)
        %dma_wait3A = arith.constant 0 : i32
        %dma_wait3A_127 = tpu.memref_slice %arg3[%add3A, %dma_wait3A] : memref<8x4096xf32, #tpu.memory_space<hbm>> -> memref<1x4096xf32, #tpu.memory_space<hbm>>
        %dma_wait3A_128 = tpu.memref_squeeze %dma_wait3A_127 : memref<1x4096xf32, #tpu.memory_space<hbm>> -> memref<4096xf32, #tpu.memory_space<hbm>>
        %dma_wait3A_129 = arith.constant 0 : i32
        %dma_wait3A_130 = tpu.memref_slice %arg3[%add3A, %dma_wait3A_129] : memref<8x4096xf32, #tpu.memory_space<hbm>> -> memref<1x4096xf32, #tpu.memory_space<hbm>>
        %dma_wait3A_131 = tpu.memref_squeeze %dma_wait3A_130 : memref<1x4096xf32, #tpu.memory_space<hbm>> -> memref<4096xf32, #tpu.memory_space<hbm>>
        tpu.wait_dma2 semaphore(%run_scoped3A : memref<!tpu.dma_semaphore, #tpu.memory_space<semaphore_mem>>) src(%dma_wait3A_131 : memref<4096xf32, #tpu.memory_space<hbm>>) dst(%arg9 : memref<4096xf32, #tpu.memory_space<vmem>>)
        tpu.yield
      }) : () -> ()
      "tpu.region"() ({
        %run_scoped3A = tpu.sem_alloc : memref<!tpu.dma_semaphore, #tpu.memory_space<semaphore_mem>>
        %dma_start3A = arith.constant 0 : i32
        %dma_start3A_122 = tpu.memref_slice %arg4[%add3A, %dma_start3A] : memref<8x16xf32, #tpu.memory_space<hbm>> -> memref<1x16xf32, #tpu.memory_space<hbm>>
        %dma_start3A_123 = tpu.memref_squeeze %dma_start3A_122 : memref<1x16xf32, #tpu.memory_space<hbm>> -> memref<16xf32, #tpu.memory_space<hbm>>
        %dma_start3A_124 = arith.constant 0 : i32
        %dma_start3A_125 = tpu.memref_slice %arg4[%add3A, %dma_start3A_124] : memref<8x16xf32, #tpu.memory_space<hbm>> -> memref<1x16xf32, #tpu.memory_space<hbm>>
        %dma_start3A_126 = tpu.memref_squeeze %dma_start3A_125 : memref<1x16xf32, #tpu.memory_space<hbm>> -> memref<16xf32, #tpu.memory_space<hbm>>
        tpu.enqueue_dma source(%dma_start3A_126 : memref<16xf32, #tpu.memory_space<hbm>>) target(%arg10 : memref<16xf32, #tpu.memory_space<vmem>>) target_semaphore(%run_scoped3A : memref<!tpu.dma_semaphore, #tpu.memory_space<semaphore_mem>>)
        %dma_wait3A = arith.constant 0 : i32
        %dma_wait3A_127 = tpu.memref_slice %arg4[%add3A, %dma_wait3A] : memref<8x16xf32, #tpu.memory_space<hbm>> -> memref<1x16xf32, #tpu.memory_space<hbm>>
        %dma_wait3A_128 = tpu.memref_squeeze %dma_wait3A_127 : memref<1x16xf32, #tpu.memory_space<hbm>> -> memref<16xf32, #tpu.memory_space<hbm>>
        %dma_wait3A_129 = arith.constant 0 : i32
        %dma_wait3A_130 = tpu.memref_slice %arg4[%add3A, %dma_wait3A_129] : memref<8x16xf32, #tpu.memory_space<hbm>> -> memref<1x16xf32, #tpu.memory_space<hbm>>
        %dma_wait3A_131 = tpu.memref_squeeze %dma_wait3A_130 : memref<1x16xf32, #tpu.memory_space<hbm>> -> memref<16xf32, #tpu.memory_space<hbm>>
        tpu.wait_dma2 semaphore(%run_scoped3A : memref<!tpu.dma_semaphore, #tpu.memory_space<semaphore_mem>>) src(%dma_wait3A_131 : memref<16xf32, #tpu.memory_space<hbm>>) dst(%arg10 : memref<16xf32, #tpu.memory_space<vmem>>)
        tpu.yield
      }) : () -> ()
      "tpu.region"() ({
        %run_scoped3A = tpu.sem_alloc : memref<!tpu.dma_semaphore, #tpu.memory_space<semaphore_mem>>
        %dma_start3A = arith.constant 0 : i32
        %dma_start3A_122 = tpu.memref_slice %arg5[%add3A, %dma_start3A] : memref<8x16xf32, #tpu.memory_space<hbm>> -> memref<1x16xf32, #tpu.memory_space<hbm>>
        %dma_start3A_123 = tpu.memref_squeeze %dma_start3A_122 : memref<1x16xf32, #tpu.memory_space<hbm>> -> memref<16xf32, #tpu.memory_space<hbm>>
        %dma_start3A_124 = arith.constant 0 : i32
        %dma_start3A_125 = tpu.memref_slice %arg5[%add3A, %dma_start3A_124] : memref<8x16xf32, #tpu.memory_space<hbm>> -> memref<1x16xf32, #tpu.memory_space<hbm>>
        %dma_start3A_126 = tpu.memref_squeeze %dma_start3A_125 : memref<1x16xf32, #tpu.memory_space<hbm>> -> memref<16xf32, #tpu.memory_space<hbm>>
        tpu.enqueue_dma source(%dma_start3A_126 : memref<16xf32, #tpu.memory_space<hbm>>) target(%arg11 : memref<16xf32, #tpu.memory_space<vmem>>) target_semaphore(%run_scoped3A : memref<!tpu.dma_semaphore, #tpu.memory_space<semaphore_mem>>)
        %dma_wait3A = arith.constant 0 : i32
        %dma_wait3A_127 = tpu.memref_slice %arg5[%add3A, %dma_wait3A] : memref<8x16xf32, #tpu.memory_space<hbm>> -> memref<1x16xf32, #tpu.memory_space<hbm>>
        %dma_wait3A_128 = tpu.memref_squeeze %dma_wait3A_127 : memref<1x16xf32, #tpu.memory_space<hbm>> -> memref<16xf32, #tpu.memory_space<hbm>>
        %dma_wait3A_129 = arith.constant 0 : i32
        %dma_wait3A_130 = tpu.memref_slice %arg5[%add3A, %dma_wait3A_129] : memref<8x16xf32, #tpu.memory_space<hbm>> -> memref<1x16xf32, #tpu.memory_space<hbm>>
        %dma_wait3A_131 = tpu.memref_squeeze %dma_wait3A_130 : memref<1x16xf32, #tpu.memory_space<hbm>> -> memref<16xf32, #tpu.memory_space<hbm>>
        tpu.wait_dma2 semaphore(%run_scoped3A : memref<!tpu.dma_semaphore, #tpu.memory_space<semaphore_mem>>) src(%dma_wait3A_131 : memref<16xf32, #tpu.memory_space<hbm>>) dst(%arg11 : memref<16xf32, #tpu.memory_space<vmem>>)
        tpu.yield
      }) : () -> ()
      %get3A = arith.constant 0 : index
      %get3A_3 = tpu.vector_load %arg10[%get3A] {strides = array<i32>} : memref<16xf32, #tpu.memory_space<vmem>>, vector<16xf32>,
      %get3A_4 = vector.shape_cast %get3A_3 : vector<16xf32> to vector<16xf32>
      %broadcast_in_dim3A = arith.constant 0.000000e+00 : f32
      %broadcast_in_dim3A_5 = vector.broadcast %broadcast_in_dim3A : f32 to vector<16xf32>
      %scan3A = arith.constant 0 : i32
      %scan3A_6 = arith.constant 256 : i32
      %scan3A_7 = arith.addi %scan3A, %scan3A_6 : i32
      %scan3A_8 = arith.constant 1 : i32
      %scan3A_9 = scf.for %scan3A_122 = %scan3A to %scan3A_7 step %scan3A_8 iter_args(%scan3A_123 = %broadcast_in_dim3A_5) -> (vector<16xf32>)  : i32 {
        %mul3A_124 = arith.constant 16 : i32
        %mul3A_125 = arith.muli %scan3A_122, %mul3A_124 : i32
        %get3A_126 = arith.index_cast %mul3A_125 : i32 to index
        %get3A_127 = tpu.vector_load %arg8[%get3A_126] {strides = array<i32>} : memref<4096xf32, #tpu.memory_space<vmem>>, vector<16xf32>,
        %get3A_128 = vector.shape_cast %get3A_127 : vector<16xf32> to vector<16xf32>
        %le3A = arith.cmpf ole, %get3A_128, %get3A_4 : vector<16xf32>
        %jit3A_129 = arith.constant 1.000000e+00 : f32
        %jit3A_130 = arith.constant 0.000000e+00 : f32
        %broadcast_in_dim3A_131 = vector.broadcast %jit3A_129 : f32 to vector<16xf32>
        %broadcast_in_dim3A_132 = vector.broadcast %jit3A_130 : f32 to vector<16xf32>
        %select_n3A_133 = arith.select %le3A, %broadcast_in_dim3A_131, %broadcast_in_dim3A_132 : vector<16xi1>, vector<16xf32>
        %add3A_134 = arith.addf %scan3A_123, %select_n3A_133 : vector<16xf32>
        scf.yield %add3A_134 : vector<16xf32>
      }
      %scan3A_10 = arith.constant 256 : i32
      %swap3A = arith.constant 16 : index
      %swap3A_11 = tpu.vector_load %arg14[%swap3A] {strides = array<i32>} : memref<32xf32, #tpu.memory_space<vmem>>, vector<16xf32>,
      %swap3A_12 = vector.shape_cast %swap3A_11 : vector<16xf32> to vector<16xf32>
      %swap3A_13 = vector.shape_cast %broadcast_in_dim3A_5 : vector<16xf32> to vector<16xf32>
      tpu.vector_store %arg14[%swap3A], %swap3A_13 {strides = array<i32>} : memref<32xf32, #tpu.memory_space<vmem>>, vector<16xf32>,
      %swap3A_14 = arith.constant 0 : index
      %swap3A_15 = tpu.vector_load %arg14[%swap3A_14] {strides = array<i32>} : memref<32xf32, #tpu.memory_space<vmem>>, vector<16xf32>,
      %swap3A_16 = vector.shape_cast %swap3A_15 : vector<16xf32> to vector<16xf32>
      %swap3A_17 = vector.shape_cast %scan3A_9 : vector<16xf32> to vector<16xf32>
      tpu.vector_store %arg14[%swap3A_14], %swap3A_17 {strides = array<i32>} : memref<32xf32, #tpu.memory_space<vmem>>, vector<16xf32>,
      %get3A_18 = arith.constant 8 : index
      %get3A_19 = tpu.vector_load %arg14[%get3A_18] {strides = array<i32>} : memref<32xf32, #tpu.memory_space<vmem>>, vector<16xf32>,
      %get3A_20 = vector.shape_cast %get3A_19 : vector<16xf32> to vector<16xf32>
      %add3A_21 = arith.addf %scan3A_9, %get3A_20 : vector<16xf32>
      %swap3A_22 = arith.constant 0 : index
      %swap3A_23 = tpu.vector_load %arg14[%swap3A_22] {strides = array<i32>} : memref<32xf32, #tpu.memory_space<vmem>>, vector<16xf32>,
      %swap3A_24 = vector.shape_cast %swap3A_23 : vector<16xf32> to vector<16xf32>
      %swap3A_25 = vector.shape_cast %add3A_21 : vector<16xf32> to vector<16xf32>
      tpu.vector_store %arg14[%swap3A_22], %swap3A_25 {strides = array<i32>} : memref<32xf32, #tpu.memory_space<vmem>>, vector<16xf32>,
      %get3A_26 = arith.constant 4 : index
      %get3A_27 = tpu.vector_load %arg14[%get3A_26] {strides = array<i32>} : memref<32xf32, #tpu.memory_space<vmem>>, vector<16xf32>,
      %get3A_28 = vector.shape_cast %get3A_27 : vector<16xf32> to vector<16xf32>
      %add3A_29 = arith.addf %add3A_21, %get3A_28 : vector<16xf32>
      %swap3A_30 = arith.constant 0 : index
      %swap3A_31 = tpu.vector_load %arg14[%swap3A_30] {strides = array<i32>} : memref<32xf32, #tpu.memory_space<vmem>>, vector<16xf32>,
      %swap3A_32 = vector.shape_cast %swap3A_31 : vector<16xf32> to vector<16xf32>
      %swap3A_33 = vector.shape_cast %add3A_29 : vector<16xf32> to vector<16xf32>
      tpu.vector_store %arg14[%swap3A_30], %swap3A_33 {strides = array<i32>} : memref<32xf32, #tpu.memory_space<vmem>>, vector<16xf32>,
      %get3A_34 = arith.constant 2 : index
      %get3A_35 = tpu.vector_load %arg14[%get3A_34] {strides = array<i32>} : memref<32xf32, #tpu.memory_space<vmem>>, vector<16xf32>,
      %get3A_36 = vector.shape_cast %get3A_35 : vector<16xf32> to vector<16xf32>
      %add3A_37 = arith.addf %add3A_29, %get3A_36 : vector<16xf32>
      %swap3A_38 = arith.constant 0 : index
      %swap3A_39 = tpu.vector_load %arg14[%swap3A_38] {strides = array<i32>} : memref<32xf32, #tpu.memory_space<vmem>>, vector<16xf32>,
      %swap3A_40 = vector.shape_cast %swap3A_39 : vector<16xf32> to vector<16xf32>
      %swap3A_41 = vector.shape_cast %add3A_37 : vector<16xf32> to vector<16xf32>
      tpu.vector_store %arg14[%swap3A_38], %swap3A_41 {strides = array<i32>} : memref<32xf32, #tpu.memory_space<vmem>>, vector<16xf32>,
      %get3A_42 = arith.constant 1 : index
      %get3A_43 = tpu.vector_load %arg14[%get3A_42] {strides = array<i32>} : memref<32xf32, #tpu.memory_space<vmem>>, vector<16xf32>,
      %get3A_44 = vector.shape_cast %get3A_43 : vector<16xf32> to vector<16xf32>
      %add3A_45 = arith.addf %add3A_37, %get3A_44 : vector<16xf32>
      %iota3A = tpu.iota {dimensions = array<i32: 0>} : vector<16xi32>
      %convert_element_type3A_46 = arith.sitofp %iota3A : vector<16xi32> to vector<16xf32>
      %eq3A = arith.constant 0.000000e+00 : f32
      %eq3A_47 = vector.broadcast %eq3A : f32 to vector<16xf32>
      %eq3A_48 = arith.cmpf oeq, %convert_element_type3A_46, %eq3A_47 : vector<16xf32>
      %jit3A = arith.constant 0.000000e+00 : f32
      %broadcast_in_dim3A_49 = vector.broadcast %jit3A : f32 to vector<16xf32>
      %select_n3A = arith.select %eq3A_48, %add3A_45, %broadcast_in_dim3A_49 : vector<16xi1>, vector<16xf32>
      %swap3A_50 = arith.constant 0 : index
      %swap3A_51 = tpu.vector_load %arg14[%swap3A_50] {strides = array<i32>} : memref<32xf32, #tpu.memory_space<vmem>>, vector<16xf32>,
      %swap3A_52 = vector.shape_cast %swap3A_51 : vector<16xf32> to vector<16xf32>
      %swap3A_53 = vector.shape_cast %broadcast_in_dim3A_5 : vector<16xf32> to vector<16xf32>
      tpu.vector_store %arg14[%swap3A_50], %swap3A_53 {strides = array<i32>} : memref<32xf32, #tpu.memory_space<vmem>>, vector<16xf32>,
      %swap3A_54 = arith.constant 1 : index
      %swap3A_55 = tpu.vector_load %arg14[%swap3A_54] {strides = array<i32>} : memref<32xf32, #tpu.memory_space<vmem>>, vector<16xf32>,
      %swap3A_56 = vector.shape_cast %swap3A_55 : vector<16xf32> to vector<16xf32>
      %swap3A_57 = vector.shape_cast %select_n3A : vector<16xf32> to vector<16xf32>
      tpu.vector_store %arg14[%swap3A_54], %swap3A_57 {strides = array<i32>} : memref<32xf32, #tpu.memory_space<vmem>>, vector<16xf32>,
      %get3A_58 = arith.constant 0 : index
      %get3A_59 = tpu.vector_load %arg14[%get3A_58] {strides = array<i32>} : memref<32xf32, #tpu.memory_space<vmem>>, vector<16xf32>,
      %get3A_60 = vector.shape_cast %get3A_59 : vector<16xf32> to vector<16xf32>
      %add3A_61 = arith.addf %select_n3A, %get3A_60 : vector<16xf32>
      %swap3A_62 = arith.constant 0 : index
      %swap3A_63 = tpu.vector_load %arg14[%swap3A_62] {strides = array<i32>} : memref<32xf32, #tpu.memory_space<vmem>>, vector<16xf32>,
      %swap3A_64 = vector.shape_cast %swap3A_63 : vector<16xf32> to vector<16xf32>
      %swap3A_65 = vector.shape_cast %broadcast_in_dim3A_5 : vector<16xf32> to vector<16xf32>
      tpu.vector_store %arg14[%swap3A_62], %swap3A_65 {strides = array<i32>} : memref<32xf32, #tpu.memory_space<vmem>>, vector<16xf32>,
      %swap3A_66 = arith.constant 2 : index
      %swap3A_67 = tpu.vector_load %arg14[%swap3A_66] {strides = array<i32>} : memref<32xf32, #tpu.memory_space<vmem>>, vector<16xf32>,
      %swap3A_68 = vector.shape_cast %swap3A_67 : vector<16xf32> to vector<16xf32>
      %swap3A_69 = vector.shape_cast %add3A_61 : vector<16xf32> to vector<16xf32>
      tpu.vector_store %arg14[%swap3A_66], %swap3A_69 {strides = array<i32>} : memref<32xf32, #tpu.memory_space<vmem>>, vector<16xf32>,
      %get3A_70 = arith.constant 0 : index
      %get3A_71 = tpu.vector_load %arg14[%get3A_70] {strides = array<i32>} : memref<32xf32, #tpu.memory_space<vmem>>, vector<16xf32>,
      %get3A_72 = vector.shape_cast %get3A_71 : vector<16xf32> to vector<16xf32>
      %add3A_73 = arith.addf %add3A_61, %get3A_72 : vector<16xf32>
      %swap3A_74 = arith.constant 0 : index
      %swap3A_75 = tpu.vector_load %arg14[%swap3A_74] {strides = array<i32>} : memref<32xf32, #tpu.memory_space<vmem>>, vector<16xf32>,
      %swap3A_76 = vector.shape_cast %swap3A_75 : vector<16xf32> to vector<16xf32>
      %swap3A_77 = vector.shape_cast %broadcast_in_dim3A_5 : vector<16xf32> to vector<16xf32>
      tpu.vector_store %arg14[%swap3A_74], %swap3A_77 {strides = array<i32>} : memref<32xf32, #tpu.memory_space<vmem>>, vector<16xf32>,
      %swap3A_78 = arith.constant 4 : index
      %swap3A_79 = tpu.vector_load %arg14[%swap3A_78] {strides = array<i32>} : memref<32xf32, #tpu.memory_space<vmem>>, vector<16xf32>,
      %swap3A_80 = vector.shape_cast %swap3A_79 : vector<16xf32> to vector<16xf32>
      %swap3A_81 = vector.shape_cast %add3A_73 : vector<16xf32> to vector<16xf32>
      tpu.vector_store %arg14[%swap3A_78], %swap3A_81 {strides = array<i32>} : memref<32xf32, #tpu.memory_space<vmem>>, vector<16xf32>,
      %get3A_82 = arith.constant 0 : index
      %get3A_83 = tpu.vector_load %arg14[%get3A_82] {strides = array<i32>} : memref<32xf32, #tpu.memory_space<vmem>>, vector<16xf32>,
      %get3A_84 = vector.shape_cast %get3A_83 : vector<16xf32> to vector<16xf32>
      %add3A_85 = arith.addf %add3A_73, %get3A_84 : vector<16xf32>
      %swap3A_86 = arith.constant 0 : index
      %swap3A_87 = tpu.vector_load %arg14[%swap3A_86] {strides = array<i32>} : memref<32xf32, #tpu.memory_space<vmem>>, vector<16xf32>,
      %swap3A_88 = vector.shape_cast %swap3A_87 : vector<16xf32> to vector<16xf32>
      %swap3A_89 = vector.shape_cast %broadcast_in_dim3A_5 : vector<16xf32> to vector<16xf32>
      tpu.vector_store %arg14[%swap3A_86], %swap3A_89 {strides = array<i32>} : memref<32xf32, #tpu.memory_space<vmem>>, vector<16xf32>,
      %swap3A_90 = arith.constant 8 : index
      %swap3A_91 = tpu.vector_load %arg14[%swap3A_90] {strides = array<i32>} : memref<32xf32, #tpu.memory_space<vmem>>, vector<16xf32>,
      %swap3A_92 = vector.shape_cast %swap3A_91 : vector<16xf32> to vector<16xf32>
      %swap3A_93 = vector.shape_cast %add3A_85 : vector<16xf32> to vector<16xf32>
      tpu.vector_store %arg14[%swap3A_90], %swap3A_93 {strides = array<i32>} : memref<32xf32, #tpu.memory_space<vmem>>, vector<16xf32>,
      %get3A_94 = arith.constant 0 : index
      %get3A_95 = tpu.vector_load %arg14[%get3A_94] {strides = array<i32>} : memref<32xf32, #tpu.memory_space<vmem>>, vector<16xf32>,
      %get3A_96 = vector.shape_cast %get3A_95 : vector<16xf32> to vector<16xf32>
      %add3A_97 = arith.addf %add3A_85, %get3A_96 : vector<16xf32>
      %ge3A = arith.constant 4.096000e+03 : f32
      %ge3A_98 = vector.broadcast %ge3A : f32 to vector<16xf32>
      %ge3A_99 = arith.cmpf oge, %add3A_97, %ge3A_98 : vector<16xf32>
      %jit3A_100 = arith.constant 0.000000e+00 : f32
      %broadcast_in_dim3A_101 = vector.broadcast %jit3A_100 : f32 to vector<16xf32>
      %select_n3A_102 = arith.select %ge3A_99, %broadcast_in_dim3A_101, %add3A_97 : vector<16xi1>, vector<16xf32>
      %scan3A_103 = arith.constant 0 : i32
      %scan3A_104 = arith.constant 256 : i32
      %scan3A_105 = arith.addi %scan3A_103, %scan3A_104 : i32
      %scan3A_106 = arith.constant 1 : i32
      %scan3A_107:2 = scf.for %scan3A_122 = %scan3A_103 to %scan3A_105 step %scan3A_106 iter_args(%scan3A_123 = %broadcast_in_dim3A_5, %scan3A_124 = %convert_element_type3A_46) -> (vector<16xf32>, vector<16xf32>)  : i32 {
        %mul3A_125 = arith.constant 16 : i32
        %mul3A_126 = arith.muli %scan3A_122, %mul3A_125 : i32
        %get3A_127 = arith.index_cast %mul3A_126 : i32 to index
        %get3A_128 = tpu.vector_load %arg9[%get3A_127] {strides = array<i32>} : memref<4096xf32, #tpu.memory_space<vmem>>, vector<16xf32>,
        %get3A_129 = vector.shape_cast %get3A_128 : vector<16xf32> to vector<16xf32>
        %eq3A_130 = arith.cmpf oeq, %scan3A_124, %select_n3A_102 : vector<16xf32>
        %jit3A_131 = arith.constant 0.000000e+00 : f32
        %broadcast_in_dim3A_132 = vector.broadcast %jit3A_131 : f32 to vector<16xf32>
        %select_n3A_133 = arith.select %eq3A_130, %get3A_129, %broadcast_in_dim3A_132 : vector<16xi1>, vector<16xf32>
        %add3A_134 = arith.addf %scan3A_123, %select_n3A_133 : vector<16xf32>
        %add3A_135 = arith.constant 1.600000e+01 : f32
        %add3A_136 = vector.broadcast %add3A_135 : f32 to vector<16xf32>
        %add3A_137 = arith.addf %scan3A_124, %add3A_136 : vector<16xf32>
        scf.yield %add3A_134, %add3A_137 : vector<16xf32>, vector<16xf32>
      }
      %scan3A_108 = arith.constant 256 : i32
      %convert_element_type3A_109 = arith.fptosi %select_n3A_102 : vector<16xf32> to vector<16xi32>
      %swap3A_110 = arith.constant 0 : index
      %swap3A_111 = tpu.vector_load %arg12[%swap3A_110] {strides = array<i32>} : memref<16xi32, #tpu.memory_space<vmem>>, vector<16xi32>,
      %swap3A_112 = vector.shape_cast %swap3A_111 : vector<16xi32> to vector<16xi32>
      %swap3A_113 = vector.shape_cast %convert_element_type3A_109 : vector<16xi32> to vector<16xi32>
      tpu.vector_store %arg12[%swap3A_110], %swap3A_113 {strides = array<i32>} : memref<16xi32, #tpu.memory_space<vmem>>, vector<16xi32>,
      %get3A_114 = arith.constant 0 : index
      %get3A_115 = tpu.vector_load %arg11[%get3A_114] {strides = array<i32>} : memref<16xf32, #tpu.memory_space<vmem>>, vector<16xf32>,
      %get3A_116 = vector.shape_cast %get3A_115 : vector<16xf32> to vector<16xf32>
      %mul3A_117 = arith.mulf %get3A_116, %scan3A_107#0 : vector<16xf32>
      %swap3A_118 = arith.constant 0 : index
      %swap3A_119 = tpu.vector_load %arg13[%swap3A_118] {strides = array<i32>} : memref<16xf32, #tpu.memory_space<vmem>>, vector<16xf32>,
      %swap3A_120 = vector.shape_cast %swap3A_119 : vector<16xf32> to vector<16xf32>
      %swap3A_121 = vector.shape_cast %mul3A_117 : vector<16xf32> to vector<16xf32>
      tpu.vector_store %arg13[%swap3A_118], %swap3A_121 {strides = array<i32>} : memref<16xf32, #tpu.memory_space<vmem>>, vector<16xf32>,
      "tpu.region"() ({
        %run_scoped3A = tpu.sem_alloc : memref<!tpu.dma_semaphore, #tpu.memory_space<semaphore_mem>>
        %dma_start3A = arith.constant 0 : i32
        %dma_start3A_122 = tpu.memref_slice %arg6[%add3A, %dma_start3A] : memref<8x16xi32, #tpu.memory_space<hbm>> -> memref<1x16xi32, #tpu.memory_space<hbm>>
        %dma_start3A_123 = tpu.memref_squeeze %dma_start3A_122 : memref<1x16xi32, #tpu.memory_space<hbm>> -> memref<16xi32, #tpu.memory_space<hbm>>
        %dma_start3A_124 = arith.constant 0 : i32
        %dma_start3A_125 = tpu.memref_slice %arg6[%add3A, %dma_start3A_124] : memref<8x16xi32, #tpu.memory_space<hbm>> -> memref<1x16xi32, #tpu.memory_space<hbm>>
        %dma_start3A_126 = tpu.memref_squeeze %dma_start3A_125 : memref<1x16xi32, #tpu.memory_space<hbm>> -> memref<16xi32, #tpu.memory_space<hbm>>
        tpu.enqueue_dma source(%arg12 : memref<16xi32, #tpu.memory_space<vmem>>) target(%dma_start3A_126 : memref<16xi32, #tpu.memory_space<hbm>>) target_semaphore(%run_scoped3A : memref<!tpu.dma_semaphore, #tpu.memory_space<semaphore_mem>>)
        %dma_wait3A = arith.constant 0 : i32
        %dma_wait3A_127 = tpu.memref_slice %arg6[%add3A, %dma_wait3A] : memref<8x16xi32, #tpu.memory_space<hbm>> -> memref<1x16xi32, #tpu.memory_space<hbm>>
        %dma_wait3A_128 = tpu.memref_squeeze %dma_wait3A_127 : memref<1x16xi32, #tpu.memory_space<hbm>> -> memref<16xi32, #tpu.memory_space<hbm>>
        %dma_wait3A_129 = arith.constant 0 : i32
        %dma_wait3A_130 = tpu.memref_slice %arg6[%add3A, %dma_wait3A_129] : memref<8x16xi32, #tpu.memory_space<hbm>> -> memref<1x16xi32, #tpu.memory_space<hbm>>
        %dma_wait3A_131 = tpu.memref_squeeze %dma_wait3A_130 : memref<1x16xi32, #tpu.memory_space<hbm>> -> memref<16xi32, #tpu.memory_space<hbm>>
        tpu.wait_dma2 semaphore(%run_scoped3A : memref<!tpu.dma_semaphore, #tpu.memory_space<semaphore_mem>>) src(%arg12 : memref<16xi32, #tpu.memory_space<vmem>>) dst(%dma_wait3A_131 : memref<16xi32, #tpu.memory_space<hbm>>)
        tpu.yield
      }) : () -> ()
      "tpu.region"() ({
        %run_scoped3A = tpu.sem_alloc : memref<!tpu.dma_semaphore, #tpu.memory_space<semaphore_mem>>
        %dma_start3A = arith.constant 0 : i32
        %dma_start3A_122 = tpu.memref_slice %arg7[%add3A, %dma_start3A] : memref<8x16xf32, #tpu.memory_space<hbm>> -> memref<1x16xf32, #tpu.memory_space<hbm>>
        %dma_start3A_123 = tpu.memref_squeeze %dma_start3A_122 : memref<1x16xf32, #tpu.memory_space<hbm>> -> memref<16xf32, #tpu.memory_space<hbm>>
        %dma_start3A_124 = arith.constant 0 : i32
        %dma_start3A_125 = tpu.memref_slice %arg7[%add3A, %dma_start3A_124] : memref<8x16xf32, #tpu.memory_space<hbm>> -> memref<1x16xf32, #tpu.memory_space<hbm>>
        %dma_start3A_126 = tpu.memref_squeeze %dma_start3A_125 : memref<1x16xf32, #tpu.memory_space<hbm>> -> memref<16xf32, #tpu.memory_space<hbm>>
        tpu.enqueue_dma source(%arg13 : memref<16xf32, #tpu.memory_space<vmem>>) target(%dma_start3A_126 : memref<16xf32, #tpu.memory_space<hbm>>) target_semaphore(%run_scoped3A : memref<!tpu.dma_semaphore, #tpu.memory_space<semaphore_mem>>)
        %dma_wait3A = arith.constant 0 : i32
        %dma_wait3A_127 = tpu.memref_slice %arg7[%add3A, %dma_wait3A] : memref<8x16xf32, #tpu.memory_space<hbm>> -> memref<1x16xf32, #tpu.memory_space<hbm>>
        %dma_wait3A_128 = tpu.memref_squeeze %dma_wait3A_127 : memref<1x16xf32, #tpu.memory_space<hbm>> -> memref<16xf32, #tpu.memory_space<hbm>>
        %dma_wait3A_129 = arith.constant 0 : i32
        %dma_wait3A_130 = tpu.memref_slice %arg7[%add3A, %dma_wait3A_129] : memref<8x16xf32, #tpu.memory_space<hbm>> -> memref<1x16xf32, #tpu.memory_space<hbm>>
        %dma_wait3A_131 = tpu.memref_squeeze %dma_wait3A_130 : memref<1x16xf32, #tpu.memory_space<hbm>> -> memref<16xf32, #tpu.memory_space<hbm>>
        tpu.wait_dma2 semaphore(%run_scoped3A : memref<!tpu.dma_semaphore, #tpu.memory_space<semaphore_mem>>) src(%arg13 : memref<16xf32, #tpu.memory_space<vmem>>) dst(%dma_wait3A_131 : memref<16xf32, #tpu.memory_space<hbm>>)
        tpu.yield
      }) : () -> ()
    } else {
    }
    return
  }
}

module attributes {stable_mosaic.version = 14 : i64} {
  func.func @_body(%arg0: i32, %arg1: i32, %arg2: memref<1x2048x384xf32, #tpu.memory_space<vmem>>, %arg3: memref<1x1x128xf32, #tpu.memory_space<vmem>>, %arg4: memref<1x8xi32, #tpu.memory_space<smem>>, %arg5: memref<1x64xf32, #tpu.memory_space<vmem>>, %arg6: memref<384x64xf32, #tpu.memory_space<vmem>>, %arg7: memref<1x64xf32, #tpu.memory_space<vmem>>, %arg8: memref<64x64xf32, #tpu.memory_space<vmem>>, %arg9: memref<1x64xf32, #tpu.memory_space<vmem>>, %arg10: memref<64x64xf32, #tpu.memory_space<vmem>>, %arg11: memref<1x64xf32, #tpu.memory_space<vmem>>, %arg12: memref<64x64xf32, #tpu.memory_space<vmem>>, %arg13: memref<1x64xf32, #tpu.memory_space<vmem>>, %arg14: memref<64x384xf32, #tpu.memory_space<vmem>>, %arg15: memref<1x384xf32, #tpu.memory_space<vmem>>, %arg16: memref<192x64xf32, #tpu.memory_space<vmem>>, %arg17: memref<1x64xf32, #tpu.memory_space<vmem>>, %arg18: memref<1x2048x64xf32, #tpu.memory_space<vmem>>, %arg19: memref<1x1x4096xf32, #tpu.memory_space<vmem>>, %arg20: memref<1x1x4096xf32, #tpu.memory_space<vmem>>, %arg21: memref<8x64xf32, #tpu.memory_space<vmem>>, %arg22: memref<1x1xf32, #tpu.memory_space<smem>>, %arg23: memref<1x64xf32, #tpu.memory_space<vmem>>, %arg24: memref<1x4096xf32, #tpu.memory_space<vmem>>, %arg25: memref<1x4xf32, #tpu.memory_space<smem>>) attributes {dimension_semantics = [#tpu.dimension_semantics<arbitrary>, #tpu.dimension_semantics<arbitrary>], iteration_bounds = array<i64: 8, 2>, scalar_prefetch = 0 : i64, scratch_operands = 3 : i64, tpu.core_type = #tpu.core_type<tc>, window_params = [{transform_indices = @transform_0, window_bounds = array<i64: 1, 2048, 384>}, {transform_indices = @transform_1, window_bounds = array<i64: 1, 1, 128>}, {transform_indices = @transform_2, window_bounds = array<i64: 1, 8>}, {pipeline_mode = #tpu.pipeline_mode<synchronous>, transform_indices = @transform_3, window_bounds = array<i64: 1, 64>}, {pipeline_mode = #tpu.pipeline_mode<synchronous>, transform_indices = @transform_4, window_bounds = array<i64: 384, 64>}, {pipeline_mode = #tpu.pipeline_mode<synchronous>, transform_indices = @transform_5, window_bounds = array<i64: 1, 64>}, {pipeline_mode = #tpu.pipeline_mode<synchronous>, transform_indices = @transform_6, window_bounds = array<i64: 64, 64>}, {pipeline_mode = #tpu.pipeline_mode<synchronous>, transform_indices = @transform_7, window_bounds = array<i64: 1, 64>}, {pipeline_mode = #tpu.pipeline_mode<synchronous>, transform_indices = @transform_8, window_bounds = array<i64: 64, 64>}, {pipeline_mode = #tpu.pipeline_mode<synchronous>, transform_indices = @transform_9, window_bounds = array<i64: 1, 64>}, {pipeline_mode = #tpu.pipeline_mode<synchronous>, transform_indices = @transform_10, window_bounds = array<i64: 64, 64>}, {pipeline_mode = #tpu.pipeline_mode<synchronous>, transform_indices = @transform_11, window_bounds = array<i64: 1, 64>}, {pipeline_mode = #tpu.pipeline_mode<synchronous>, transform_indices = @transform_12, window_bounds = array<i64: 64, 384>}, {pipeline_mode = #tpu.pipeline_mode<synchronous>, transform_indices = @transform_13, window_bounds = array<i64: 1, 384>}, {pipeline_mode = #tpu.pipeline_mode<synchronous>, transform_indices = @transform_14, window_bounds = array<i64: 192, 64>}, {pipeline_mode = #tpu.pipeline_mode<synchronous>, transform_indices = @transform_15, window_bounds = array<i64: 1, 64>}, {transform_indices = @transform_16, window_bounds = array<i64: 1, 2048, 64>}, {transform_indices = @transform_17, window_bounds = array<i64: 1, 1, 4096>}, {transform_indices = @transform_18, window_bounds = array<i64: 1, 1, 4096>}, {pipeline_mode = #tpu.pipeline_mode<synchronous>, transform_indices = @transform_19, window_bounds = array<i64: 8, 64>}, {transform_indices = @transform_20, window_bounds = array<i64: 1, 1>}]} {
    %eq3A = arith.constant 0 : i32
    %eq3A_0 = arith.cmpi eq, %arg1, %eq3A : i32
    %convert_element_type3A = arith.extui %eq3A_0 : i1 to i32
    %cond3A = arith.constant 0 : i32
    %cond3A_1 = arith.cmpi ne, %convert_element_type3A, %cond3A : i32
    scf.if %cond3A_1 {
      %get3A_126 = arith.constant 0 : index
      %get3A_127 = arith.constant 0 : index
      %get3A_128 = vector.load %arg5[%get3A_126, %get3A_127] : memref<1x64xf32, #tpu.memory_space<vmem>>, vector<1x64xf32>
      %add3A_129 = arith.addf %get3A_128, %get3A_128 : vector<1x64xf32>
      %reduce_sum3A_130 = arith.constant dense<0.000000e+00> : vector<1xf32>
      %reduce_sum3A_131 = vector.multi_reduction <add>, %add3A_129, %reduce_sum3A_130 [1] : vector<1x64xf32> to vector<1xf32>
      %broadcast_in_dim3A_132 = vector.shape_cast %reduce_sum3A_131 : vector<1xf32> to vector<1x1xf32>
      %div3A_133 = arith.constant 6.400000e+01 : f32
      %div3A_134 = vector.broadcast %div3A_133 : f32 to vector<1x1xf32>
      %div3A_135 = arith.divf %broadcast_in_dim3A_132, %div3A_134 : vector<1x1xf32>
      %sub3A_136 = vector.broadcast %div3A_135 : vector<1x1xf32> to vector<1x64xf32>
      %sub3A_137 = arith.subf %add3A_129, %sub3A_136 : vector<1x64xf32>
      %sub3A_138 = vector.broadcast %div3A_135 : vector<1x1xf32> to vector<1x64xf32>
      %sub3A_139 = arith.subf %add3A_129, %sub3A_138 : vector<1x64xf32>
      %mul3A_140 = arith.mulf %sub3A_137, %sub3A_139 : vector<1x64xf32>
      %reduce_sum3A_141 = arith.constant dense<0.000000e+00> : vector<1xf32>
      %reduce_sum3A_142 = vector.multi_reduction <add>, %mul3A_140, %reduce_sum3A_141 [1] : vector<1x64xf32> to vector<1xf32>
      %broadcast_in_dim3A_143 = vector.shape_cast %reduce_sum3A_142 : vector<1xf32> to vector<1x1xf32>
      %div3A_144 = arith.constant 6.400000e+01 : f32
      %div3A_145 = vector.broadcast %div3A_144 : f32 to vector<1x1xf32>
      %div3A_146 = arith.divf %broadcast_in_dim3A_143, %div3A_145 : vector<1x1xf32>
      %sub3A_147 = vector.broadcast %div3A_135 : vector<1x1xf32> to vector<1x64xf32>
      %sub3A_148 = arith.subf %add3A_129, %sub3A_147 : vector<1x64xf32>
      %add3A_149 = arith.constant 9.99999974E-6 : f32
      %add3A_150 = vector.broadcast %add3A_149 : f32 to vector<1x1xf32>
      %add3A_151 = arith.addf %div3A_146, %add3A_150 : vector<1x1xf32>
      %sqrt3A_152 = math.sqrt %add3A_151 : vector<1x1xf32>
      %div3A_153 = vector.broadcast %sqrt3A_152 : vector<1x1xf32> to vector<1x64xf32>
      %div3A_154 = arith.divf %sub3A_148, %div3A_153 : vector<1x64xf32>
      %get3A_155 = arith.constant 0 : index
      %get3A_156 = arith.index_cast %arg0 : i32 to index
      %get3A_157 = memref.load %arg4[%get3A_155, %get3A_156] : memref<1x8xi32, #tpu.memory_space<smem>>
      %gt3A = arith.constant 0 : i32
      %gt3A_158 = arith.cmpi sgt, %get3A_157, %gt3A : i32
      %select_n3A = arith.select %gt3A_158, %div3A_154, %get3A_128 : vector<1x64xf32>
      %swap3A_159 = arith.index_cast %arg0 : i32 to index
      %swap3A_160 = arith.constant 0 : index
      %swap3A_161 = vector.load %arg21[%swap3A_159, %swap3A_160] : memref<8x64xf32, #tpu.memory_space<vmem>>, vector<1x64xf32>
      tpu.vector_store %arg21[%swap3A_159, %swap3A_160], %select_n3A {strides = array<i32>} : memref<8x64xf32, #tpu.memory_space<vmem>>, vector<1x64xf32>,
      %get3A_162 = arith.constant 0 : index
      %get3A_163 = arith.constant 0 : index
      %get3A_164 = arith.constant 0 : index
      %get3A_165 = vector.load %arg3[%get3A_162, %get3A_163, %get3A_164] : memref<1x1x128xf32, #tpu.memory_space<vmem>>, vector<1x1x128xf32>
      %get3A_166 = vector.shape_cast %get3A_165 : vector<1x1x128xf32> to vector<1x128xf32>
      %get3A_167 = arith.constant 0 : index
      %get3A_168 = arith.constant 0 : index
      %get3A_169 = vector.load %arg16[%get3A_167, %get3A_168] : memref<192x64xf32, #tpu.memory_space<vmem>>, vector<128x64xf32>
      %dot_general3A_170 = arith.constant dense<0.000000e+00> : vector<1x64xf32>
      %dot_general3A_171 = tpu.matmul %get3A_166, %get3A_169, %dot_general3A_170 {dimension_numbers = #tpu.dot_dimension_numbers<[1], [0], [0], [1], [0, 0, 1, 1], [], []>, transpose_lhs_hint = false} : vector<1x128xf32>, vector<128x64xf32>, vector<1x64xf32> -> vector<1x64xf32>
      %get3A_172 = arith.constant 128 : index
      %get3A_173 = arith.constant 0 : index
      %get3A_174 = vector.load %arg16[%get3A_172, %get3A_173] : memref<192x64xf32, #tpu.memory_space<vmem>>, vector<64x64xf32>
      %dot_general3A_175 = arith.constant dense<0.000000e+00> : vector<1x64xf32>
      %dot_general3A_176 = tpu.matmul %div3A_154, %get3A_174, %dot_general3A_175 {dimension_numbers = #tpu.dot_dimension_numbers<[1], [0], [0], [1], [0, 0, 1, 1], [], []>, transpose_lhs_hint = false} : vector<1x64xf32>, vector<64x64xf32>, vector<1x64xf32> -> vector<1x64xf32>
      %add3A_177 = arith.addf %dot_general3A_171, %dot_general3A_176 : vector<1x64xf32>
      %get3A_178 = arith.constant 0 : index
      %get3A_179 = arith.constant 0 : index
      %get3A_180 = vector.load %arg17[%get3A_178, %get3A_179] : memref<1x64xf32, #tpu.memory_space<vmem>>, vector<1x64xf32>
      %add3A_181 = arith.addf %add3A_177, %get3A_180 : vector<1x64xf32>
      %mul3A_182 = arith.mulf %add3A_181, %add3A_181 : vector<1x64xf32>
      %reduce_sum3A_183 = arith.constant dense<0.000000e+00> : vector<1xf32>
      %reduce_sum3A_184 = vector.multi_reduction <add>, %mul3A_182, %reduce_sum3A_183 [1] : vector<1x64xf32> to vector<1xf32>
      %broadcast_in_dim3A_185 = vector.shape_cast %reduce_sum3A_184 : vector<1xf32> to vector<1x1xf32>
      %sqrt3A_186 = math.sqrt %broadcast_in_dim3A_185 : vector<1x1xf32>
      %max3A_187 = arith.constant 9.99999996E-13 : f32
      %max3A_188 = vector.broadcast %max3A_187 : f32 to vector<1x1xf32>
      %max3A_189 = arith.maximumf %sqrt3A_186, %max3A_188 : vector<1x1xf32>
      %div3A_190 = vector.broadcast %max3A_189 : vector<1x1xf32> to vector<1x64xf32>
      %div3A_191 = arith.divf %add3A_181, %div3A_190 : vector<1x64xf32>
      %swap3A_192 = arith.constant 0 : index
      %swap3A_193 = arith.constant 0 : index
      %swap3A_194 = vector.load %arg23[%swap3A_192, %swap3A_193] : memref<1x64xf32, #tpu.memory_space<vmem>>, vector<1x64xf32>
      tpu.vector_store %arg23[%swap3A_192, %swap3A_193], %div3A_191 {strides = array<i32>} : memref<1x64xf32, #tpu.memory_space<vmem>>, vector<1x64xf32>,
      %swap3A_195 = arith.constant 0.000000e+00 : f32
      %swap3A_196 = arith.constant 0 : index
      %swap3A_197 = arith.constant 0 : index
      %swap3A_198 = memref.load %arg25[%swap3A_196, %swap3A_197] : memref<1x4xf32, #tpu.memory_space<smem>>
      memref.store %swap3A_195, %arg25[%swap3A_196, %swap3A_197] : memref<1x4xf32, #tpu.memory_space<smem>>
      %swap3A_199 = arith.constant 0.000000e+00 : f32
      %swap3A_200 = arith.constant 0 : index
      %swap3A_201 = arith.constant 1 : index
      %swap3A_202 = memref.load %arg25[%swap3A_200, %swap3A_201] : memref<1x4xf32, #tpu.memory_space<smem>>
      memref.store %swap3A_199, %arg25[%swap3A_200, %swap3A_201] : memref<1x4xf32, #tpu.memory_space<smem>>
      %eq3A_203 = arith.constant 0 : i32
      %eq3A_204 = arith.cmpi eq, %arg0, %eq3A_203 : i32
      %convert_element_type3A_205 = arith.extui %eq3A_204 : i1 to i32
      %cond3A_206 = arith.constant 0 : i32
      %cond3A_207 = arith.cmpi ne, %convert_element_type3A_205, %cond3A_206 : i32
      scf.if %cond3A_207 {
        %swap3A_208 = arith.constant 0.000000e+00 : f32
        %swap3A_209 = arith.constant 0 : index
        %swap3A_210 = arith.constant 2 : index
        %swap3A_211 = memref.load %arg25[%swap3A_209, %swap3A_210] : memref<1x4xf32, #tpu.memory_space<smem>>
        memref.store %swap3A_208, %arg25[%swap3A_209, %swap3A_210] : memref<1x4xf32, #tpu.memory_space<smem>>
      } else {
      }
    } else {
    }
    %get3A = arith.constant 0 : index
    %get3A_2 = arith.constant 0 : index
    %get3A_3 = arith.constant 0 : index
    %get3A_4 = vector.load %arg2[%get3A, %get3A_2, %get3A_3] : memref<1x2048x384xf32, #tpu.memory_space<vmem>>, vector<1x2048x384xf32>
    %get3A_5 = vector.shape_cast %get3A_4 : vector<1x2048x384xf32> to vector<2048x384xf32>
    %get3A_6 = arith.constant 0 : index
    %get3A_7 = arith.constant 0 : index
    %get3A_8 = vector.load %arg6[%get3A_6, %get3A_7] : memref<384x64xf32, #tpu.memory_space<vmem>>, vector<384x64xf32>
    %dot_general3A = arith.constant dense<0.000000e+00> : vector<2048x64xf32>
    %dot_general3A_9 = tpu.matmul %get3A_5, %get3A_8, %dot_general3A {dimension_numbers = #tpu.dot_dimension_numbers<[1], [0], [0], [1], [0, 0, 1, 1], [], []>, transpose_lhs_hint = false} : vector<2048x384xf32>, vector<384x64xf32>, vector<2048x64xf32> -> vector<2048x64xf32>
    %get3A_10 = arith.constant 0 : index
    %get3A_11 = arith.constant 0 : index
    %get3A_12 = vector.load %arg7[%get3A_10, %get3A_11] : memref<1x64xf32, #tpu.memory_space<vmem>>, vector<1x64xf32>
    %add3A = vector.broadcast %get3A_12 : vector<1x64xf32> to vector<2048x64xf32>
    %add3A_13 = arith.addf %dot_general3A_9, %add3A : vector<2048x64xf32>
    %max3A = arith.constant 0.000000e+00 : f32
    %max3A_14 = vector.broadcast %max3A : f32 to vector<2048x64xf32>
    %max3A_15 = arith.maximumf %add3A_13, %max3A_14 : vector<2048x64xf32>
    %get3A_16 = arith.constant 0 : index
    %get3A_17 = arith.constant 0 : index
    %get3A_18 = vector.load %arg8[%get3A_16, %get3A_17] : memref<64x64xf32, #tpu.memory_space<vmem>>, vector<64x64xf32>
    %dot_general3A_19 = arith.constant dense<0.000000e+00> : vector<2048x64xf32>
    %dot_general3A_20 = tpu.matmul %max3A_15, %get3A_18, %dot_general3A_19 {dimension_numbers = #tpu.dot_dimension_numbers<[1], [0], [0], [1], [0, 0, 1, 1], [], []>, transpose_lhs_hint = false} : vector<2048x64xf32>, vector<64x64xf32>, vector<2048x64xf32> -> vector<2048x64xf32>
    %get3A_21 = arith.constant 0 : index
    %get3A_22 = arith.constant 0 : index
    %get3A_23 = vector.load %arg9[%get3A_21, %get3A_22] : memref<1x64xf32, #tpu.memory_space<vmem>>, vector<1x64xf32>
    %add3A_24 = vector.broadcast %get3A_23 : vector<1x64xf32> to vector<2048x64xf32>
    %add3A_25 = arith.addf %dot_general3A_20, %add3A_24 : vector<2048x64xf32>
    %get3A_26 = arith.constant 0 : index
    %get3A_27 = arith.constant 0 : index
    %get3A_28 = vector.load %arg10[%get3A_26, %get3A_27] : memref<64x64xf32, #tpu.memory_space<vmem>>, vector<64x64xf32>
    %dot_general3A_29 = arith.constant dense<0.000000e+00> : vector<2048x64xf32>
    %dot_general3A_30 = tpu.matmul %max3A_15, %get3A_28, %dot_general3A_29 {dimension_numbers = #tpu.dot_dimension_numbers<[1], [0], [0], [1], [0, 0, 1, 1], [], []>, transpose_lhs_hint = false} : vector<2048x64xf32>, vector<64x64xf32>, vector<2048x64xf32> -> vector<2048x64xf32>
    %get3A_31 = arith.constant 0 : index
    %get3A_32 = arith.constant 0 : index
    %get3A_33 = vector.load %arg11[%get3A_31, %get3A_32] : memref<1x64xf32, #tpu.memory_space<vmem>>, vector<1x64xf32>
    %add3A_34 = vector.broadcast %get3A_33 : vector<1x64xf32> to vector<2048x64xf32>
    %add3A_35 = arith.addf %dot_general3A_30, %add3A_34 : vector<2048x64xf32>
    %mul3A = arith.constant 5.000000e-01 : f32
    %mul3A_36 = vector.broadcast %mul3A : f32 to vector<2048x64xf32>
    %mul3A_37 = arith.mulf %mul3A_36, %add3A_35 : vector<2048x64xf32>
    %exp3A = math.exp %mul3A_37 : vector<2048x64xf32>
    %get3A_38 = arith.constant 0 : index
    %get3A_39 = arith.constant 0 : index
    %get3A_40 = arith.constant 0 : index
    %get3A_41 = vector.load %arg18[%get3A_38, %get3A_39, %get3A_40] : memref<1x2048x64xf32, #tpu.memory_space<vmem>>, vector<1x2048x64xf32>
    %get3A_42 = vector.shape_cast %get3A_41 : vector<1x2048x64xf32> to vector<2048x64xf32>
    %mul3A_43 = arith.constant 1.000000e-01 : f32
    %mul3A_44 = vector.broadcast %mul3A_43 : f32 to vector<2048x64xf32>
    %mul3A_45 = arith.mulf %exp3A, %mul3A_44 : vector<2048x64xf32>
    %mul3A_46 = arith.mulf %get3A_42, %mul3A_45 : vector<2048x64xf32>
    %add3A_47 = arith.addf %add3A_25, %mul3A_46 : vector<2048x64xf32>
    %get3A_48 = arith.constant 0 : index
    %get3A_49 = arith.constant 0 : index
    %get3A_50 = vector.load %arg12[%get3A_48, %get3A_49] : memref<64x64xf32, #tpu.memory_space<vmem>>, vector<64x64xf32>
    %dot_general3A_51 = arith.constant dense<0.000000e+00> : vector<2048x64xf32>
    %dot_general3A_52 = tpu.matmul %add3A_47, %get3A_50, %dot_general3A_51 {dimension_numbers = #tpu.dot_dimension_numbers<[1], [0], [0], [1], [0, 0, 1, 1], [], []>, transpose_lhs_hint = false} : vector<2048x64xf32>, vector<64x64xf32>, vector<2048x64xf32> -> vector<2048x64xf32>
    %get3A_53 = arith.constant 0 : index
    %get3A_54 = arith.constant 0 : index
    %get3A_55 = vector.load %arg13[%get3A_53, %get3A_54] : memref<1x64xf32, #tpu.memory_space<vmem>>, vector<1x64xf32>
    %add3A_56 = vector.broadcast %get3A_55 : vector<1x64xf32> to vector<2048x64xf32>
    %add3A_57 = arith.addf %dot_general3A_52, %add3A_56 : vector<2048x64xf32>
    %max3A_58 = arith.constant 0.000000e+00 : f32
    %max3A_59 = vector.broadcast %max3A_58 : f32 to vector<2048x64xf32>
    %max3A_60 = arith.maximumf %add3A_57, %max3A_59 : vector<2048x64xf32>
    %get3A_61 = arith.constant 0 : index
    %get3A_62 = arith.constant 0 : index
    %get3A_63 = vector.load %arg14[%get3A_61, %get3A_62] : memref<64x384xf32, #tpu.memory_space<vmem>>, vector<64x384xf32>
    %dot_general3A_64 = arith.constant dense<0.000000e+00> : vector<2048x384xf32>
    %dot_general3A_65 = tpu.matmul %max3A_60, %get3A_63, %dot_general3A_64 {dimension_numbers = #tpu.dot_dimension_numbers<[1], [0], [0], [1], [0, 0, 1, 1], [], []>, transpose_lhs_hint = false} : vector<2048x64xf32>, vector<64x384xf32>, vector<2048x384xf32> -> vector<2048x384xf32>
    %get3A_66 = arith.constant 0 : index
    %get3A_67 = arith.constant 0 : index
    %get3A_68 = vector.load %arg15[%get3A_66, %get3A_67] : memref<1x384xf32, #tpu.memory_space<vmem>>, vector<1x384xf32>
    %add3A_69 = vector.broadcast %get3A_68 : vector<1x384xf32> to vector<2048x384xf32>
    %add3A_70 = arith.addf %dot_general3A_65, %add3A_69 : vector<2048x384xf32>
    %sub3A = arith.subf %add3A_70, %get3A_5 : vector<2048x384xf32>
    %get3A_71 = arith.constant 0 : index
    %get3A_72 = arith.constant 0 : index
    %get3A_73 = memref.load %arg25[%get3A_71, %get3A_72] : memref<1x4xf32, #tpu.memory_space<smem>>
    %mul3A_74 = arith.mulf %sub3A, %sub3A : vector<2048x384xf32>
    %reduce_sum3A = vector.shape_cast %mul3A_74 : vector<2048x384xf32> to vector<1x2048x384xf32>
    %reduce_sum3A_75 = arith.constant dense<0.000000e+00> : vector<1xf32>
    %reduce_sum3A_76 = vector.multi_reduction <add>, %reduce_sum3A, %reduce_sum3A_75 [1, 2] : vector<1x2048x384xf32> to vector<1xf32>
    %reduce_sum3A_77 = vector.shape_cast %reduce_sum3A_76 : vector<1xf32> to vector<1x1x1xf32>
    %reduce_sum3A_78 = vector.extract %reduce_sum3A_77[0, 0, 0] : f32 from vector<1x1x1xf32>
    %add3A_79 = arith.addf %get3A_73, %reduce_sum3A_78 : f32
    %swap3A = arith.constant 0 : index
    %swap3A_80 = arith.constant 0 : index
    %swap3A_81 = memref.load %arg25[%swap3A, %swap3A_80] : memref<1x4xf32, #tpu.memory_space<smem>>
    memref.store %add3A_79, %arg25[%swap3A, %swap3A_80] : memref<1x4xf32, #tpu.memory_space<smem>>
    %add3A_82 = arith.constant 5.60517025 : f32
    %add3A_83 = vector.broadcast %add3A_82 : f32 to vector<2048x64xf32>
    %add3A_84 = arith.addf %add3A_83, %add3A_35 : vector<2048x64xf32>
    %mul3A_85 = arith.mulf %add3A_25, %add3A_25 : vector<2048x64xf32>
    %mul3A_86 = arith.mulf %exp3A, %exp3A : vector<2048x64xf32>
    %add3A_87 = arith.addf %mul3A_85, %mul3A_86 : vector<2048x64xf32>
    %div3A = arith.constant 0.00999999977 : f32
    %div3A_88 = vector.broadcast %div3A : f32 to vector<2048x64xf32>
    %div3A_89 = arith.divf %add3A_87, %div3A_88 : vector<2048x64xf32>
    %sub3A_90 = arith.subf %add3A_84, %div3A_89 : vector<2048x64xf32>
    %get3A_91 = arith.constant 0 : index
    %get3A_92 = arith.constant 1 : index
    %get3A_93 = memref.load %arg25[%get3A_91, %get3A_92] : memref<1x4xf32, #tpu.memory_space<smem>>
    %reduce_sum3A_94 = vector.shape_cast %sub3A_90 : vector<2048x64xf32> to vector<1x2048x64xf32>
    %reduce_sum3A_95 = arith.constant dense<0.000000e+00> : vector<1xf32>
    %reduce_sum3A_96 = vector.multi_reduction <add>, %reduce_sum3A_94, %reduce_sum3A_95 [1, 2] : vector<1x2048x64xf32> to vector<1xf32>
    %reduce_sum3A_97 = vector.shape_cast %reduce_sum3A_96 : vector<1xf32> to vector<1x1x1xf32>
    %reduce_sum3A_98 = vector.extract %reduce_sum3A_97[0, 0, 0] : f32 from vector<1x1x1xf32>
    %add3A_99 = arith.addf %get3A_93, %reduce_sum3A_98 : f32
    %swap3A_100 = arith.constant 0 : index
    %swap3A_101 = arith.constant 1 : index
    %swap3A_102 = memref.load %arg25[%swap3A_100, %swap3A_101] : memref<1x4xf32, #tpu.memory_space<smem>>
    memref.store %add3A_99, %arg25[%swap3A_100, %swap3A_101] : memref<1x4xf32, #tpu.memory_space<smem>>
    %mul3A_103 = arith.mulf %add3A_47, %add3A_47 : vector<2048x64xf32>
    %reduce_sum3A_104 = arith.constant dense<0.000000e+00> : vector<2048xf32>
    %reduce_sum3A_105 = vector.multi_reduction <add>, %mul3A_103, %reduce_sum3A_104 [1] : vector<2048x64xf32> to vector<2048xf32>
    %broadcast_in_dim3A = vector.shape_cast %reduce_sum3A_105 : vector<2048xf32> to vector<2048x1xf32>
    %sqrt3A = math.sqrt %broadcast_in_dim3A : vector<2048x1xf32>
    %max3A_106 = arith.constant 9.99999996E-13 : f32
    %max3A_107 = vector.broadcast %max3A_106 : f32 to vector<2048x1xf32>
    %max3A_108 = arith.maximumf %sqrt3A, %max3A_107 : vector<2048x1xf32>
    %div3A_109 = vector.broadcast %max3A_108 : vector<2048x1xf32> to vector<2048x64xf32>
    %div3A_110 = arith.divf %add3A_47, %div3A_109 : vector<2048x64xf32>
    %get3A_111 = arith.constant 0 : index
    %get3A_112 = arith.constant 0 : index
    %get3A_113 = vector.load %arg23[%get3A_111, %get3A_112] : memref<1x64xf32, #tpu.memory_space<vmem>>, vector<1x64xf32>
    %dot_general3A_114 = arith.constant dense<0.000000e+00> : vector<1x2048xf32>
    %dot_general3A_115 = tpu.matmul %get3A_113, %div3A_110, %dot_general3A_114 {dimension_numbers = #tpu.dot_dimension_numbers<[1], [1], [0], [0], [0, 0, 1, 0], [], []>, transpose_lhs_hint = false} : vector<1x64xf32>, vector<2048x64xf32>, vector<1x2048xf32> -> vector<1x2048xf32>
    %mul3A_116 = arith.constant 2048 : i32
    %mul3A_117 = arith.muli %arg1, %mul3A_116 : i32
    %swap3A_118 = arith.constant 0 : index
    %swap3A_119 = arith.index_cast %mul3A_117 : i32 to index
    %swap3A_120 = vector.load %arg24[%swap3A_118, %swap3A_119] : memref<1x4096xf32, #tpu.memory_space<vmem>>, vector<1x2048xf32>
    tpu.vector_store %arg24[%swap3A_118, %swap3A_119], %dot_general3A_115 {strides = array<i32>} : memref<1x4096xf32, #tpu.memory_space<vmem>>, vector<1x2048xf32>,
    %eq3A_121 = arith.constant 1 : i32
    %eq3A_122 = arith.cmpi eq, %arg1, %eq3A_121 : i32
    %convert_element_type3A_123 = arith.extui %eq3A_122 : i1 to i32
    %cond3A_124 = arith.constant 0 : i32
    %cond3A_125 = arith.cmpi ne, %convert_element_type3A_123, %cond3A_124 : i32
    scf.if %cond3A_125 {
      %get3A_126 = arith.constant 0 : index
      %get3A_127 = arith.constant 0 : index
      %get3A_128 = vector.load %arg24[%get3A_126, %get3A_127] : memref<1x4096xf32, #tpu.memory_space<vmem>>, vector<1x4096xf32>
      %reduce_max3A = vector.shape_cast %get3A_128 : vector<1x4096xf32> to vector<1x1x4096xf32>
      %reduce_max3A_129 = arith.constant dense<0xFF800000> : vector<1xf32>
      %reduce_max3A_130 = vector.multi_reduction <maximumf>, %reduce_max3A, %reduce_max3A_129 [1, 2] : vector<1x1x4096xf32> to vector<1xf32>
      %reduce_max3A_131 = vector.shape_cast %reduce_max3A_130 : vector<1xf32> to vector<1x1x1xf32>
      %reduce_max3A_132 = vector.extract %reduce_max3A_131[0, 0, 0] : f32 from vector<1x1x1xf32>
      %sub3A_133 = vector.broadcast %reduce_max3A_132 : f32 to vector<1x4096xf32>
      %sub3A_134 = arith.subf %get3A_128, %sub3A_133 : vector<1x4096xf32>
      %exp3A_135 = math.exp %sub3A_134 : vector<1x4096xf32>
      %reduce_sum3A_136 = vector.shape_cast %exp3A_135 : vector<1x4096xf32> to vector<1x1x4096xf32>
      %reduce_sum3A_137 = arith.constant dense<0.000000e+00> : vector<1xf32>
      %reduce_sum3A_138 = vector.multi_reduction <add>, %reduce_sum3A_136, %reduce_sum3A_137 [1, 2] : vector<1x1x4096xf32> to vector<1xf32>
      %reduce_sum3A_139 = vector.shape_cast %reduce_sum3A_138 : vector<1xf32> to vector<1x1x1xf32>
      %reduce_sum3A_140 = vector.extract %reduce_sum3A_139[0, 0, 0] : f32 from vector<1x1x1xf32>
      %div3A_141 = vector.broadcast %reduce_sum3A_140 : f32 to vector<1x4096xf32>
      %div3A_142 = arith.divf %exp3A_135, %div3A_141 : vector<1x4096xf32>
      %iota3A = tpu.iota {dimensions = array<i32: 1>} : vector<1x4096xi32>
      %and3A = arith.constant 1 : i32
      %and3A_143 = vector.broadcast %and3A : i32 to vector<1x4096xi32>
      %and3A_144 = arith.andi %iota3A, %and3A_143 : vector<1x4096xi32>
      %eq3A_145 = arith.constant 1 : i32
      %eq3A_146 = vector.broadcast %eq3A_145 : i32 to vector<1x4096xi32>
      %eq3A_147 = arith.cmpi eq, %and3A_144, %eq3A_146 : vector<1x4096xi32>
      %slice3A = vector.extract_strided_slice %div3A_142 {offsets = [0, 4095], sizes = [1, 1], strides = [1, 1]} : vector<1x4096xf32> to vector<1x1xf32>
      %slice3A_148 = vector.extract_strided_slice %div3A_142 {offsets = [0, 0], sizes = [1, 4095], strides = [1, 1]} : vector<1x4096xf32> to vector<1x4095xf32>
      %concatenate3A = tpu.concatenate %slice3A, %slice3A_148 in 1 : vector<1x1xf32>, vector<1x4095xf32> -> vector<1x4096xf32>
      %add3A_149 = arith.addf %div3A_142, %concatenate3A : vector<1x4096xf32>
      %select_n3A = arith.select %eq3A_147, %add3A_149, %div3A_142 : vector<1x4096xi1>, vector<1x4096xf32>
      %and3A_150 = arith.constant 3 : i32
      %and3A_151 = vector.broadcast %and3A_150 : i32 to vector<1x4096xi32>
      %and3A_152 = arith.andi %iota3A, %and3A_151 : vector<1x4096xi32>
      %eq3A_153 = arith.constant 3 : i32
      %eq3A_154 = vector.broadcast %eq3A_153 : i32 to vector<1x4096xi32>
      %eq3A_155 = arith.cmpi eq, %and3A_152, %eq3A_154 : vector<1x4096xi32>
      %slice3A_156 = vector.extract_strided_slice %select_n3A {offsets = [0, 4094], sizes = [1, 2], strides = [1, 1]} : vector<1x4096xf32> to vector<1x2xf32>
      %slice3A_157 = vector.extract_strided_slice %select_n3A {offsets = [0, 0], sizes = [1, 4094], strides = [1, 1]} : vector<1x4096xf32> to vector<1x4094xf32>
      %concatenate3A_158 = tpu.concatenate %slice3A_156, %slice3A_157 in 1 : vector<1x2xf32>, vector<1x4094xf32> -> vector<1x4096xf32>
      %add3A_159 = arith.addf %select_n3A, %concatenate3A_158 : vector<1x4096xf32>
      %select_n3A_160 = arith.select %eq3A_155, %add3A_159, %select_n3A : vector<1x4096xi1>, vector<1x4096xf32>
      %and3A_161 = arith.constant 7 : i32
      %and3A_162 = vector.broadcast %and3A_161 : i32 to vector<1x4096xi32>
      %and3A_163 = arith.andi %iota3A, %and3A_162 : vector<1x4096xi32>
      %eq3A_164 = arith.constant 7 : i32
      %eq3A_165 = vector.broadcast %eq3A_164 : i32 to vector<1x4096xi32>
      %eq3A_166 = arith.cmpi eq, %and3A_163, %eq3A_165 : vector<1x4096xi32>
      %slice3A_167 = vector.extract_strided_slice %select_n3A_160 {offsets = [0, 4092], sizes = [1, 4], strides = [1, 1]} : vector<1x4096xf32> to vector<1x4xf32>
      %slice3A_168 = vector.extract_strided_slice %select_n3A_160 {offsets = [0, 0], sizes = [1, 4092], strides = [1, 1]} : vector<1x4096xf32> to vector<1x4092xf32>
      %concatenate3A_169 = tpu.concatenate %slice3A_167, %slice3A_168 in 1 : vector<1x4xf32>, vector<1x4092xf32> -> vector<1x4096xf32>
      %add3A_170 = arith.addf %select_n3A_160, %concatenate3A_169 : vector<1x4096xf32>
      %select_n3A_171 = arith.select %eq3A_166, %add3A_170, %select_n3A_160 : vector<1x4096xi1>, vector<1x4096xf32>
      %and3A_172 = arith.constant 15 : i32
      %and3A_173 = vector.broadcast %and3A_172 : i32 to vector<1x4096xi32>
      %and3A_174 = arith.andi %iota3A, %and3A_173 : vector<1x4096xi32>
      %eq3A_175 = arith.constant 15 : i32
      %eq3A_176 = vector.broadcast %eq3A_175 : i32 to vector<1x4096xi32>
      %eq3A_177 = arith.cmpi eq, %and3A_174, %eq3A_176 : vector<1x4096xi32>
      %slice3A_178 = vector.extract_strided_slice %select_n3A_171 {offsets = [0, 4088], sizes = [1, 8], strides = [1, 1]} : vector<1x4096xf32> to vector<1x8xf32>
      %slice3A_179 = vector.extract_strided_slice %select_n3A_171 {offsets = [0, 0], sizes = [1, 4088], strides = [1, 1]} : vector<1x4096xf32> to vector<1x4088xf32>
      %concatenate3A_180 = tpu.concatenate %slice3A_178, %slice3A_179 in 1 : vector<1x8xf32>, vector<1x4088xf32> -> vector<1x4096xf32>
      %add3A_181 = arith.addf %select_n3A_171, %concatenate3A_180 : vector<1x4096xf32>
      %select_n3A_182 = arith.select %eq3A_177, %add3A_181, %select_n3A_171 : vector<1x4096xi1>, vector<1x4096xf32>
      %and3A_183 = arith.constant 31 : i32
      %and3A_184 = vector.broadcast %and3A_183 : i32 to vector<1x4096xi32>
      %and3A_185 = arith.andi %iota3A, %and3A_184 : vector<1x4096xi32>
      %eq3A_186 = arith.constant 31 : i32
      %eq3A_187 = vector.broadcast %eq3A_186 : i32 to vector<1x4096xi32>
      %eq3A_188 = arith.cmpi eq, %and3A_185, %eq3A_187 : vector<1x4096xi32>
      %slice3A_189 = vector.extract_strided_slice %select_n3A_182 {offsets = [0, 4080], sizes = [1, 16], strides = [1, 1]} : vector<1x4096xf32> to vector<1x16xf32>
      %slice3A_190 = vector.extract_strided_slice %select_n3A_182 {offsets = [0, 0], sizes = [1, 4080], strides = [1, 1]} : vector<1x4096xf32> to vector<1x4080xf32>
      %concatenate3A_191 = tpu.concatenate %slice3A_189, %slice3A_190 in 1 : vector<1x16xf32>, vector<1x4080xf32> -> vector<1x4096xf32>
      %add3A_192 = arith.addf %select_n3A_182, %concatenate3A_191 : vector<1x4096xf32>
      %select_n3A_193 = arith.select %eq3A_188, %add3A_192, %select_n3A_182 : vector<1x4096xi1>, vector<1x4096xf32>
      %and3A_194 = arith.constant 63 : i32
      %and3A_195 = vector.broadcast %and3A_194 : i32 to vector<1x4096xi32>
      %and3A_196 = arith.andi %iota3A, %and3A_195 : vector<1x4096xi32>
      %eq3A_197 = arith.constant 63 : i32
      %eq3A_198 = vector.broadcast %eq3A_197 : i32 to vector<1x4096xi32>
      %eq3A_199 = arith.cmpi eq, %and3A_196, %eq3A_198 : vector<1x4096xi32>
      %slice3A_200 = vector.extract_strided_slice %select_n3A_193 {offsets = [0, 4064], sizes = [1, 32], strides = [1, 1]} : vector<1x4096xf32> to vector<1x32xf32>
      %slice3A_201 = vector.extract_strided_slice %select_n3A_193 {offsets = [0, 0], sizes = [1, 4064], strides = [1, 1]} : vector<1x4096xf32> to vector<1x4064xf32>
      %concatenate3A_202 = tpu.concatenate %slice3A_200, %slice3A_201 in 1 : vector<1x32xf32>, vector<1x4064xf32> -> vector<1x4096xf32>
      %add3A_203 = arith.addf %select_n3A_193, %concatenate3A_202 : vector<1x4096xf32>
      %select_n3A_204 = arith.select %eq3A_199, %add3A_203, %select_n3A_193 : vector<1x4096xi1>, vector<1x4096xf32>
      %and3A_205 = arith.constant 127 : i32
      %and3A_206 = vector.broadcast %and3A_205 : i32 to vector<1x4096xi32>
      %and3A_207 = arith.andi %iota3A, %and3A_206 : vector<1x4096xi32>
      %eq3A_208 = arith.constant 127 : i32
      %eq3A_209 = vector.broadcast %eq3A_208 : i32 to vector<1x4096xi32>
      %eq3A_210 = arith.cmpi eq, %and3A_207, %eq3A_209 : vector<1x4096xi32>
      %slice3A_211 = vector.extract_strided_slice %select_n3A_204 {offsets = [0, 4032], sizes = [1, 64], strides = [1, 1]} : vector<1x4096xf32> to vector<1x64xf32>
      %slice3A_212 = vector.extract_strided_slice %select_n3A_204 {offsets = [0, 0], sizes = [1, 4032], strides = [1, 1]} : vector<1x4096xf32> to vector<1x4032xf32>
      %concatenate3A_213 = tpu.concatenate %slice3A_211, %slice3A_212 in 1 : vector<1x64xf32>, vector<1x4032xf32> -> vector<1x4096xf32>
      %add3A_214 = arith.addf %select_n3A_204, %concatenate3A_213 : vector<1x4096xf32>
      %select_n3A_215 = arith.select %eq3A_210, %add3A_214, %select_n3A_204 : vector<1x4096xi1>, vector<1x4096xf32>
      %and3A_216 = arith.constant 255 : i32
      %and3A_217 = vector.broadcast %and3A_216 : i32 to vector<1x4096xi32>
      %and3A_218 = arith.andi %iota3A, %and3A_217 : vector<1x4096xi32>
      %eq3A_219 = arith.constant 255 : i32
      %eq3A_220 = vector.broadcast %eq3A_219 : i32 to vector<1x4096xi32>
      %eq3A_221 = arith.cmpi eq, %and3A_218, %eq3A_220 : vector<1x4096xi32>
      %slice3A_222 = vector.extract_strided_slice %select_n3A_215 {offsets = [0, 3968], sizes = [1, 128], strides = [1, 1]} : vector<1x4096xf32> to vector<1x128xf32>
      %slice3A_223 = vector.extract_strided_slice %select_n3A_215 {offsets = [0, 0], sizes = [1, 3968], strides = [1, 1]} : vector<1x4096xf32> to vector<1x3968xf32>
      %concatenate3A_224 = tpu.concatenate %slice3A_222, %slice3A_223 in 1 : vector<1x128xf32>, vector<1x3968xf32> -> vector<1x4096xf32>
      %add3A_225 = arith.addf %select_n3A_215, %concatenate3A_224 : vector<1x4096xf32>
      %select_n3A_226 = arith.select %eq3A_221, %add3A_225, %select_n3A_215 : vector<1x4096xi1>, vector<1x4096xf32>
      %and3A_227 = arith.constant 511 : i32
      %and3A_228 = vector.broadcast %and3A_227 : i32 to vector<1x4096xi32>
      %and3A_229 = arith.andi %iota3A, %and3A_228 : vector<1x4096xi32>
      %eq3A_230 = arith.constant 511 : i32
      %eq3A_231 = vector.broadcast %eq3A_230 : i32 to vector<1x4096xi32>
      %eq3A_232 = arith.cmpi eq, %and3A_229, %eq3A_231 : vector<1x4096xi32>
      %slice3A_233 = vector.extract_strided_slice %select_n3A_226 {offsets = [0, 3840], sizes = [1, 256], strides = [1, 1]} : vector<1x4096xf32> to vector<1x256xf32>
      %slice3A_234 = vector.extract_strided_slice %select_n3A_226 {offsets = [0, 0], sizes = [1, 3840], strides = [1, 1]} : vector<1x4096xf32> to vector<1x3840xf32>
      %concatenate3A_235 = tpu.concatenate %slice3A_233, %slice3A_234 in 1 : vector<1x256xf32>, vector<1x3840xf32> -> vector<1x4096xf32>
      %add3A_236 = arith.addf %select_n3A_226, %concatenate3A_235 : vector<1x4096xf32>
      %select_n3A_237 = arith.select %eq3A_232, %add3A_236, %select_n3A_226 : vector<1x4096xi1>, vector<1x4096xf32>
      %and3A_238 = arith.constant 1023 : i32
      %and3A_239 = vector.broadcast %and3A_238 : i32 to vector<1x4096xi32>
      %and3A_240 = arith.andi %iota3A, %and3A_239 : vector<1x4096xi32>
      %eq3A_241 = arith.constant 1023 : i32
      %eq3A_242 = vector.broadcast %eq3A_241 : i32 to vector<1x4096xi32>
      %eq3A_243 = arith.cmpi eq, %and3A_240, %eq3A_242 : vector<1x4096xi32>
      %slice3A_244 = vector.extract_strided_slice %select_n3A_237 {offsets = [0, 3584], sizes = [1, 512], strides = [1, 1]} : vector<1x4096xf32> to vector<1x512xf32>
      %slice3A_245 = vector.extract_strided_slice %select_n3A_237 {offsets = [0, 0], sizes = [1, 3584], strides = [1, 1]} : vector<1x4096xf32> to vector<1x3584xf32>
      %concatenate3A_246 = tpu.concatenate %slice3A_244, %slice3A_245 in 1 : vector<1x512xf32>, vector<1x3584xf32> -> vector<1x4096xf32>
      %add3A_247 = arith.addf %select_n3A_237, %concatenate3A_246 : vector<1x4096xf32>
      %select_n3A_248 = arith.select %eq3A_243, %add3A_247, %select_n3A_237 : vector<1x4096xi1>, vector<1x4096xf32>
      %and3A_249 = arith.constant 2047 : i32
      %and3A_250 = vector.broadcast %and3A_249 : i32 to vector<1x4096xi32>
      %and3A_251 = arith.andi %iota3A, %and3A_250 : vector<1x4096xi32>
      %eq3A_252 = arith.constant 2047 : i32
      %eq3A_253 = vector.broadcast %eq3A_252 : i32 to vector<1x4096xi32>
      %eq3A_254 = arith.cmpi eq, %and3A_251, %eq3A_253 : vector<1x4096xi32>
      %slice3A_255 = vector.extract_strided_slice %select_n3A_248 {offsets = [0, 3072], sizes = [1, 1024], strides = [1, 1]} : vector<1x4096xf32> to vector<1x1024xf32>
      %slice3A_256 = vector.extract_strided_slice %select_n3A_248 {offsets = [0, 0], sizes = [1, 3072], strides = [1, 1]} : vector<1x4096xf32> to vector<1x3072xf32>
      %concatenate3A_257 = tpu.concatenate %slice3A_255, %slice3A_256 in 1 : vector<1x1024xf32>, vector<1x3072xf32> -> vector<1x4096xf32>
      %add3A_258 = arith.addf %select_n3A_248, %concatenate3A_257 : vector<1x4096xf32>
      %select_n3A_259 = arith.select %eq3A_254, %add3A_258, %select_n3A_248 : vector<1x4096xi1>, vector<1x4096xf32>
      %and3A_260 = arith.constant 4095 : i32
      %and3A_261 = vector.broadcast %and3A_260 : i32 to vector<1x4096xi32>
      %and3A_262 = arith.andi %iota3A, %and3A_261 : vector<1x4096xi32>
      %eq3A_263 = arith.constant 4095 : i32
      %eq3A_264 = vector.broadcast %eq3A_263 : i32 to vector<1x4096xi32>
      %eq3A_265 = arith.cmpi eq, %and3A_262, %eq3A_264 : vector<1x4096xi32>
      %slice3A_266 = vector.extract_strided_slice %select_n3A_259 {offsets = [0, 2048], sizes = [1, 2048], strides = [1, 1]} : vector<1x4096xf32> to vector<1x2048xf32>
      %slice3A_267 = vector.extract_strided_slice %select_n3A_259 {offsets = [0, 0], sizes = [1, 2048], strides = [1, 1]} : vector<1x4096xf32> to vector<1x2048xf32>
      %concatenate3A_268 = tpu.concatenate %slice3A_266, %slice3A_267 in 1 : vector<1x2048xf32>, vector<1x2048xf32> -> vector<1x4096xf32>
      %add3A_269 = arith.addf %select_n3A_259, %concatenate3A_268 : vector<1x4096xf32>
      %select_n3A_270 = arith.select %eq3A_265, %add3A_269, %select_n3A_259 : vector<1x4096xi1>, vector<1x4096xf32>
      %and3A_271 = arith.constant 2047 : i32
      %and3A_272 = vector.broadcast %and3A_271 : i32 to vector<1x4096xi32>
      %and3A_273 = arith.andi %iota3A, %and3A_272 : vector<1x4096xi32>
      %eq3A_274 = arith.constant 1023 : i32
      %eq3A_275 = vector.broadcast %eq3A_274 : i32 to vector<1x4096xi32>
      %eq3A_276 = arith.cmpi eq, %and3A_273, %eq3A_275 : vector<1x4096xi32>
      %ge3A = arith.constant 3071 : i32
      %ge3A_277 = vector.broadcast %ge3A : i32 to vector<1x4096xi32>
      %ge3A_278 = arith.cmpi sge, %iota3A, %ge3A_277 : vector<1x4096xi32>
      %and3A_279 = arith.andi %eq3A_276, %ge3A_278 : vector<1x4096xi1>
      %slice3A_280 = vector.extract_strided_slice %select_n3A_270 {offsets = [0, 3072], sizes = [1, 1024], strides = [1, 1]} : vector<1x4096xf32> to vector<1x1024xf32>
      %slice3A_281 = vector.extract_strided_slice %select_n3A_270 {offsets = [0, 0], sizes = [1, 3072], strides = [1, 1]} : vector<1x4096xf32> to vector<1x3072xf32>
      %concatenate3A_282 = tpu.concatenate %slice3A_280, %slice3A_281 in 1 : vector<1x1024xf32>, vector<1x3072xf32> -> vector<1x4096xf32>
      %add3A_283 = arith.addf %select_n3A_270, %concatenate3A_282 : vector<1x4096xf32>
      %select_n3A_284 = arith.select %and3A_279, %add3A_283, %select_n3A_270 : vector<1x4096xi1>, vector<1x4096xf32>
      %and3A_285 = arith.constant 1023 : i32
      %and3A_286 = vector.broadcast %and3A_285 : i32 to vector<1x4096xi32>
      %and3A_287 = arith.andi %iota3A, %and3A_286 : vector<1x4096xi32>
      %eq3A_288 = arith.constant 511 : i32
      %eq3A_289 = vector.broadcast %eq3A_288 : i32 to vector<1x4096xi32>
      %eq3A_290 = arith.cmpi eq, %and3A_287, %eq3A_289 : vector<1x4096xi32>
      %ge3A_291 = arith.constant 1535 : i32
      %ge3A_292 = vector.broadcast %ge3A_291 : i32 to vector<1x4096xi32>
      %ge3A_293 = arith.cmpi sge, %iota3A, %ge3A_292 : vector<1x4096xi32>
      %and3A_294 = arith.andi %eq3A_290, %ge3A_293 : vector<1x4096xi1>
      %slice3A_295 = vector.extract_strided_slice %select_n3A_284 {offsets = [0, 3584], sizes = [1, 512], strides = [1, 1]} : vector<1x4096xf32> to vector<1x512xf32>
      %slice3A_296 = vector.extract_strided_slice %select_n3A_284 {offsets = [0, 0], sizes = [1, 3584], strides = [1, 1]} : vector<1x4096xf32> to vector<1x3584xf32>
      %concatenate3A_297 = tpu.concatenate %slice3A_295, %slice3A_296 in 1 : vector<1x512xf32>, vector<1x3584xf32> -> vector<1x4096xf32>
      %add3A_298 = arith.addf %select_n3A_284, %concatenate3A_297 : vector<1x4096xf32>
      %select_n3A_299 = arith.select %and3A_294, %add3A_298, %select_n3A_284 : vector<1x4096xi1>, vector<1x4096xf32>
      %and3A_300 = arith.constant 511 : i32
      %and3A_301 = vector.broadcast %and3A_300 : i32 to vector<1x4096xi32>
      %and3A_302 = arith.andi %iota3A, %and3A_301 : vector<1x4096xi32>
      %eq3A_303 = arith.constant 255 : i32
      %eq3A_304 = vector.broadcast %eq3A_303 : i32 to vector<1x4096xi32>
      %eq3A_305 = arith.cmpi eq, %and3A_302, %eq3A_304 : vector<1x4096xi32>
      %ge3A_306 = arith.constant 767 : i32
      %ge3A_307 = vector.broadcast %ge3A_306 : i32 to vector<1x4096xi32>
      %ge3A_308 = arith.cmpi sge, %iota3A, %ge3A_307 : vector<1x4096xi32>
      %and3A_309 = arith.andi %eq3A_305, %ge3A_308 : vector<1x4096xi1>
      %slice3A_310 = vector.extract_strided_slice %select_n3A_299 {offsets = [0, 3840], sizes = [1, 256], strides = [1, 1]} : vector<1x4096xf32> to vector<1x256xf32>
      %slice3A_311 = vector.extract_strided_slice %select_n3A_299 {offsets = [0, 0], sizes = [1, 3840], strides = [1, 1]} : vector<1x4096xf32> to vector<1x3840xf32>
      %concatenate3A_312 = tpu.concatenate %slice3A_310, %slice3A_311 in 1 : vector<1x256xf32>, vector<1x3840xf32> -> vector<1x4096xf32>
      %add3A_313 = arith.addf %select_n3A_299, %concatenate3A_312 : vector<1x4096xf32>
      %select_n3A_314 = arith.select %and3A_309, %add3A_313, %select_n3A_299 : vector<1x4096xi1>, vector<1x4096xf32>
      %and3A_315 = arith.constant 255 : i32
      %and3A_316 = vector.broadcast %and3A_315 : i32 to vector<1x4096xi32>
      %and3A_317 = arith.andi %iota3A, %and3A_316 : vector<1x4096xi32>
      %eq3A_318 = arith.constant 127 : i32
      %eq3A_319 = vector.broadcast %eq3A_318 : i32 to vector<1x4096xi32>
      %eq3A_320 = arith.cmpi eq, %and3A_317, %eq3A_319 : vector<1x4096xi32>
      %ge3A_321 = arith.constant 383 : i32
      %ge3A_322 = vector.broadcast %ge3A_321 : i32 to vector<1x4096xi32>
      %ge3A_323 = arith.cmpi sge, %iota3A, %ge3A_322 : vector<1x4096xi32>
      %and3A_324 = arith.andi %eq3A_320, %ge3A_323 : vector<1x4096xi1>
      %slice3A_325 = vector.extract_strided_slice %select_n3A_314 {offsets = [0, 3968], sizes = [1, 128], strides = [1, 1]} : vector<1x4096xf32> to vector<1x128xf32>
      %slice3A_326 = vector.extract_strided_slice %select_n3A_314 {offsets = [0, 0], sizes = [1, 3968], strides = [1, 1]} : vector<1x4096xf32> to vector<1x3968xf32>
      %concatenate3A_327 = tpu.concatenate %slice3A_325, %slice3A_326 in 1 : vector<1x128xf32>, vector<1x3968xf32> -> vector<1x4096xf32>
      %add3A_328 = arith.addf %select_n3A_314, %concatenate3A_327 : vector<1x4096xf32>
      %select_n3A_329 = arith.select %and3A_324, %add3A_328, %select_n3A_314 : vector<1x4096xi1>, vector<1x4096xf32>
      %and3A_330 = arith.constant 127 : i32
      %and3A_331 = vector.broadcast %and3A_330 : i32 to vector<1x4096xi32>
      %and3A_332 = arith.andi %iota3A, %and3A_331 : vector<1x4096xi32>
      %eq3A_333 = arith.constant 63 : i32
      %eq3A_334 = vector.broadcast %eq3A_333 : i32 to vector<1x4096xi32>
      %eq3A_335 = arith.cmpi eq, %and3A_332, %eq3A_334 : vector<1x4096xi32>
      %ge3A_336 = arith.constant 191 : i32
      %ge3A_337 = vector.broadcast %ge3A_336 : i32 to vector<1x4096xi32>
      %ge3A_338 = arith.cmpi sge, %iota3A, %ge3A_337 : vector<1x4096xi32>
      %and3A_339 = arith.andi %eq3A_335, %ge3A_338 : vector<1x4096xi1>
      %slice3A_340 = vector.extract_strided_slice %select_n3A_329 {offsets = [0, 4032], sizes = [1, 64], strides = [1, 1]} : vector<1x4096xf32> to vector<1x64xf32>
      %slice3A_341 = vector.extract_strided_slice %select_n3A_329 {offsets = [0, 0], sizes = [1, 4032], strides = [1, 1]} : vector<1x4096xf32> to vector<1x4032xf32>
      %concatenate3A_342 = tpu.concatenate %slice3A_340, %slice3A_341 in 1 : vector<1x64xf32>, vector<1x4032xf32> -> vector<1x4096xf32>
      %add3A_343 = arith.addf %select_n3A_329, %concatenate3A_342 : vector<1x4096xf32>
      %select_n3A_344 = arith.select %and3A_339, %add3A_343, %select_n3A_329 : vector<1x4096xi1>, vector<1x4096xf32>
      %and3A_345 = arith.constant 63 : i32
      %and3A_346 = vector.broadcast %and3A_345 : i32 to vector<1x4096xi32>
      %and3A_347 = arith.andi %iota3A, %and3A_346 : vector<1x4096xi32>
      %eq3A_348 = arith.constant 31 : i32
      %eq3A_349 = vector.broadcast %eq3A_348 : i32 to vector<1x4096xi32>
      %eq3A_350 = arith.cmpi eq, %and3A_347, %eq3A_349 : vector<1x4096xi32>
      %ge3A_351 = arith.constant 95 : i32
      %ge3A_352 = vector.broadcast %ge3A_351 : i32 to vector<1x4096xi32>
      %ge3A_353 = arith.cmpi sge, %iota3A, %ge3A_352 : vector<1x4096xi32>
      %and3A_354 = arith.andi %eq3A_350, %ge3A_353 : vector<1x4096xi1>
      %slice3A_355 = vector.extract_strided_slice %select_n3A_344 {offsets = [0, 4064], sizes = [1, 32], strides = [1, 1]} : vector<1x4096xf32> to vector<1x32xf32>
      %slice3A_356 = vector.extract_strided_slice %select_n3A_344 {offsets = [0, 0], sizes = [1, 4064], strides = [1, 1]} : vector<1x4096xf32> to vector<1x4064xf32>
      %concatenate3A_357 = tpu.concatenate %slice3A_355, %slice3A_356 in 1 : vector<1x32xf32>, vector<1x4064xf32> -> vector<1x4096xf32>
      %add3A_358 = arith.addf %select_n3A_344, %concatenate3A_357 : vector<1x4096xf32>
      %select_n3A_359 = arith.select %and3A_354, %add3A_358, %select_n3A_344 : vector<1x4096xi1>, vector<1x4096xf32>
      %and3A_360 = arith.constant 31 : i32
      %and3A_361 = vector.broadcast %and3A_360 : i32 to vector<1x4096xi32>
      %and3A_362 = arith.andi %iota3A, %and3A_361 : vector<1x4096xi32>
      %eq3A_363 = arith.constant 15 : i32
      %eq3A_364 = vector.broadcast %eq3A_363 : i32 to vector<1x4096xi32>
      %eq3A_365 = arith.cmpi eq, %and3A_362, %eq3A_364 : vector<1x4096xi32>
      %ge3A_366 = arith.constant 47 : i32
      %ge3A_367 = vector.broadcast %ge3A_366 : i32 to vector<1x4096xi32>
      %ge3A_368 = arith.cmpi sge, %iota3A, %ge3A_367 : vector<1x4096xi32>
      %and3A_369 = arith.andi %eq3A_365, %ge3A_368 : vector<1x4096xi1>
      %slice3A_370 = vector.extract_strided_slice %select_n3A_359 {offsets = [0, 4080], sizes = [1, 16], strides = [1, 1]} : vector<1x4096xf32> to vector<1x16xf32>
      %slice3A_371 = vector.extract_strided_slice %select_n3A_359 {offsets = [0, 0], sizes = [1, 4080], strides = [1, 1]} : vector<1x4096xf32> to vector<1x4080xf32>
      %concatenate3A_372 = tpu.concatenate %slice3A_370, %slice3A_371 in 1 : vector<1x16xf32>, vector<1x4080xf32> -> vector<1x4096xf32>
      %add3A_373 = arith.addf %select_n3A_359, %concatenate3A_372 : vector<1x4096xf32>
      %select_n3A_374 = arith.select %and3A_369, %add3A_373, %select_n3A_359 : vector<1x4096xi1>, vector<1x4096xf32>
      %and3A_375 = arith.constant 15 : i32
      %and3A_376 = vector.broadcast %and3A_375 : i32 to vector<1x4096xi32>
      %and3A_377 = arith.andi %iota3A, %and3A_376 : vector<1x4096xi32>
      %eq3A_378 = arith.constant 7 : i32
      %eq3A_379 = vector.broadcast %eq3A_378 : i32 to vector<1x4096xi32>
      %eq3A_380 = arith.cmpi eq, %and3A_377, %eq3A_379 : vector<1x4096xi32>
      %ge3A_381 = arith.constant 23 : i32
      %ge3A_382 = vector.broadcast %ge3A_381 : i32 to vector<1x4096xi32>
      %ge3A_383 = arith.cmpi sge, %iota3A, %ge3A_382 : vector<1x4096xi32>
      %and3A_384 = arith.andi %eq3A_380, %ge3A_383 : vector<1x4096xi1>
      %slice3A_385 = vector.extract_strided_slice %select_n3A_374 {offsets = [0, 4088], sizes = [1, 8], strides = [1, 1]} : vector<1x4096xf32> to vector<1x8xf32>
      %slice3A_386 = vector.extract_strided_slice %select_n3A_374 {offsets = [0, 0], sizes = [1, 4088], strides = [1, 1]} : vector<1x4096xf32> to vector<1x4088xf32>
      %concatenate3A_387 = tpu.concatenate %slice3A_385, %slice3A_386 in 1 : vector<1x8xf32>, vector<1x4088xf32> -> vector<1x4096xf32>
      %add3A_388 = arith.addf %select_n3A_374, %concatenate3A_387 : vector<1x4096xf32>
      %select_n3A_389 = arith.select %and3A_384, %add3A_388, %select_n3A_374 : vector<1x4096xi1>, vector<1x4096xf32>
      %and3A_390 = arith.constant 7 : i32
      %and3A_391 = vector.broadcast %and3A_390 : i32 to vector<1x4096xi32>
      %and3A_392 = arith.andi %iota3A, %and3A_391 : vector<1x4096xi32>
      %eq3A_393 = arith.constant 3 : i32
      %eq3A_394 = vector.broadcast %eq3A_393 : i32 to vector<1x4096xi32>
      %eq3A_395 = arith.cmpi eq, %and3A_392, %eq3A_394 : vector<1x4096xi32>
      %ge3A_396 = arith.constant 11 : i32
      %ge3A_397 = vector.broadcast %ge3A_396 : i32 to vector<1x4096xi32>
      %ge3A_398 = arith.cmpi sge, %iota3A, %ge3A_397 : vector<1x4096xi32>
      %and3A_399 = arith.andi %eq3A_395, %ge3A_398 : vector<1x4096xi1>
      %slice3A_400 = vector.extract_strided_slice %select_n3A_389 {offsets = [0, 4092], sizes = [1, 4], strides = [1, 1]} : vector<1x4096xf32> to vector<1x4xf32>
      %slice3A_401 = vector.extract_strided_slice %select_n3A_389 {offsets = [0, 0], sizes = [1, 4092], strides = [1, 1]} : vector<1x4096xf32> to vector<1x4092xf32>
      %concatenate3A_402 = tpu.concatenate %slice3A_400, %slice3A_401 in 1 : vector<1x4xf32>, vector<1x4092xf32> -> vector<1x4096xf32>
      %add3A_403 = arith.addf %select_n3A_389, %concatenate3A_402 : vector<1x4096xf32>
      %select_n3A_404 = arith.select %and3A_399, %add3A_403, %select_n3A_389 : vector<1x4096xi1>, vector<1x4096xf32>
      %and3A_405 = arith.constant 3 : i32
      %and3A_406 = vector.broadcast %and3A_405 : i32 to vector<1x4096xi32>
      %and3A_407 = arith.andi %iota3A, %and3A_406 : vector<1x4096xi32>
      %eq3A_408 = arith.constant 1 : i32
      %eq3A_409 = vector.broadcast %eq3A_408 : i32 to vector<1x4096xi32>
      %eq3A_410 = arith.cmpi eq, %and3A_407, %eq3A_409 : vector<1x4096xi32>
      %ge3A_411 = arith.constant 5 : i32
      %ge3A_412 = vector.broadcast %ge3A_411 : i32 to vector<1x4096xi32>
      %ge3A_413 = arith.cmpi sge, %iota3A, %ge3A_412 : vector<1x4096xi32>
      %and3A_414 = arith.andi %eq3A_410, %ge3A_413 : vector<1x4096xi1>
      %slice3A_415 = vector.extract_strided_slice %select_n3A_404 {offsets = [0, 4094], sizes = [1, 2], strides = [1, 1]} : vector<1x4096xf32> to vector<1x2xf32>
      %slice3A_416 = vector.extract_strided_slice %select_n3A_404 {offsets = [0, 0], sizes = [1, 4094], strides = [1, 1]} : vector<1x4096xf32> to vector<1x4094xf32>
      %concatenate3A_417 = tpu.concatenate %slice3A_415, %slice3A_416 in 1 : vector<1x2xf32>, vector<1x4094xf32> -> vector<1x4096xf32>
      %add3A_418 = arith.addf %select_n3A_404, %concatenate3A_417 : vector<1x4096xf32>
      %select_n3A_419 = arith.select %and3A_414, %add3A_418, %select_n3A_404 : vector<1x4096xi1>, vector<1x4096xf32>
      %and3A_420 = arith.constant 1 : i32
      %and3A_421 = vector.broadcast %and3A_420 : i32 to vector<1x4096xi32>
      %and3A_422 = arith.andi %iota3A, %and3A_421 : vector<1x4096xi32>
      %eq3A_423 = arith.constant 0 : i32
      %eq3A_424 = vector.broadcast %eq3A_423 : i32 to vector<1x4096xi32>
      %eq3A_425 = arith.cmpi eq, %and3A_422, %eq3A_424 : vector<1x4096xi32>
      %ge3A_426 = arith.constant 2 : i32
      %ge3A_427 = vector.broadcast %ge3A_426 : i32 to vector<1x4096xi32>
      %ge3A_428 = arith.cmpi sge, %iota3A, %ge3A_427 : vector<1x4096xi32>
      %and3A_429 = arith.andi %eq3A_425, %ge3A_428 : vector<1x4096xi1>
      %slice3A_430 = vector.extract_strided_slice %select_n3A_419 {offsets = [0, 4095], sizes = [1, 1], strides = [1, 1]} : vector<1x4096xf32> to vector<1x1xf32>
      %slice3A_431 = vector.extract_strided_slice %select_n3A_419 {offsets = [0, 0], sizes = [1, 4095], strides = [1, 1]} : vector<1x4096xf32> to vector<1x4095xf32>
      %concatenate3A_432 = tpu.concatenate %slice3A_430, %slice3A_431 in 1 : vector<1x1xf32>, vector<1x4095xf32> -> vector<1x4096xf32>
      %add3A_433 = arith.addf %select_n3A_419, %concatenate3A_432 : vector<1x4096xf32>
      %select_n3A_434 = arith.select %and3A_429, %add3A_433, %select_n3A_419 : vector<1x4096xi1>, vector<1x4096xf32>
      %swap3A_435 = arith.constant 0 : index
      %swap3A_436 = arith.constant 0 : index
      %swap3A_437 = arith.constant 0 : index
      %swap3A_438 = vector.load %arg19[%swap3A_435, %swap3A_436, %swap3A_437] : memref<1x1x4096xf32, #tpu.memory_space<vmem>>, vector<1x1x4096xf32>
      %swap3A_439 = vector.shape_cast %swap3A_438 : vector<1x1x4096xf32> to vector<1x4096xf32>
      %swap3A_440 = vector.shape_cast %select_n3A_434 : vector<1x4096xf32> to vector<1x1x4096xf32>
      tpu.vector_store %arg19[%swap3A_435, %swap3A_436, %swap3A_437], %swap3A_440 {strides = array<i32>} : memref<1x1x4096xf32, #tpu.memory_space<vmem>>, vector<1x1x4096xf32>,
      %log3A = math.log %div3A_142 : vector<1x4096xf32>
      %swap3A_441 = arith.constant 0 : index
      %swap3A_442 = arith.constant 0 : index
      %swap3A_443 = arith.constant 0 : index
      %swap3A_444 = vector.load %arg20[%swap3A_441, %swap3A_442, %swap3A_443] : memref<1x1x4096xf32, #tpu.memory_space<vmem>>, vector<1x1x4096xf32>
      %swap3A_445 = vector.shape_cast %swap3A_444 : vector<1x1x4096xf32> to vector<1x4096xf32>
      %swap3A_446 = vector.shape_cast %log3A : vector<1x4096xf32> to vector<1x1x4096xf32>
      tpu.vector_store %arg20[%swap3A_441, %swap3A_442, %swap3A_443], %swap3A_446 {strides = array<i32>} : memref<1x1x4096xf32, #tpu.memory_space<vmem>>, vector<1x1x4096xf32>,
      %get3A_447 = arith.constant 0 : index
      %get3A_448 = arith.constant 0 : index
      %get3A_449 = memref.load %arg25[%get3A_447, %get3A_448] : memref<1x4xf32, #tpu.memory_space<smem>>
      %div3A_450 = arith.constant 0x49C00000 : f32
      %div3A_451 = arith.divf %get3A_449, %div3A_450 : f32
      %get3A_452 = arith.constant 0 : index
      %get3A_453 = arith.constant 1 : index
      %get3A_454 = memref.load %arg25[%get3A_452, %get3A_453] : memref<1x4xf32, #tpu.memory_space<smem>>
      %div3A_455 = arith.constant 2.621440e+05 : f32
      %div3A_456 = arith.divf %get3A_454, %div3A_455 : f32
      %mul3A_457 = arith.constant -5.000000e-01 : f32
      %mul3A_458 = arith.mulf %mul3A_457, %div3A_456 : f32
      %get3A_459 = arith.constant 0 : index
      %get3A_460 = arith.constant 2 : index
      %get3A_461 = memref.load %arg25[%get3A_459, %get3A_460] : memref<1x4xf32, #tpu.memory_space<smem>>
      %add3A_462 = arith.addf %div3A_451, %mul3A_458 : f32
      %add3A_463 = arith.addf %get3A_461, %add3A_462 : f32
      %swap3A_464 = arith.constant 0 : index
      %swap3A_465 = arith.constant 2 : index
      %swap3A_466 = memref.load %arg25[%swap3A_464, %swap3A_465] : memref<1x4xf32, #tpu.memory_space<smem>>
      memref.store %add3A_463, %arg25[%swap3A_464, %swap3A_465] : memref<1x4xf32, #tpu.memory_space<smem>>
      %eq3A_467 = arith.constant 7 : i32
      %eq3A_468 = arith.cmpi eq, %arg0, %eq3A_467 : i32
      %convert_element_type3A_469 = arith.extui %eq3A_468 : i1 to i32
      %cond3A_470 = arith.constant 0 : i32
      %cond3A_471 = arith.cmpi ne, %convert_element_type3A_469, %cond3A_470 : i32
      scf.if %cond3A_471 {
        %get3A_472 = arith.constant 0 : index
        %get3A_473 = arith.constant 2 : index
        %get3A_474 = memref.load %arg25[%get3A_472, %get3A_473] : memref<1x4xf32, #tpu.memory_space<smem>>
        %div3A_475 = arith.constant 8.000000e+00 : f32
        %div3A_476 = arith.divf %get3A_474, %div3A_475 : f32
        %swap3A_477 = arith.constant 0 : index
        %swap3A_478 = arith.constant 0 : index
        %swap3A_479 = memref.load %arg22[%swap3A_477, %swap3A_478] : memref<1x1xf32, #tpu.memory_space<smem>>
        memref.store %div3A_476, %arg22[%swap3A_477, %swap3A_478] : memref<1x1xf32, #tpu.memory_space<smem>>
      } else {
      }
    } else {
    }
    return
  }
  func.func @transform_0(%arg0: i32, %arg1: i32) -> (i32, i32, i32) {
    %c0_i32 = arith.constant 0 : i32
    %c0_i32_0 = arith.constant 0 : i32
    return %arg0, %arg1, %c0_i32 : i32, i32, i32
  }
  func.func @transform_1(%arg0: i32, %arg1: i32) -> (i32, i32, i32) {
    %c0_i32 = arith.constant 0 : i32
    %c0_i32_0 = arith.constant 0 : i32
    %c0_i32_1 = arith.constant 0 : i32
    return %arg0, %c0_i32, %c0_i32_0 : i32, i32, i32
  }
  func.func @transform_2(%arg0: i32, %arg1: i32) -> (i32, i32) {
    %c0_i32 = arith.constant 0 : i32
    %c0_i32_0 = arith.constant 0 : i32
    %c0_i32_1 = arith.constant 0 : i32
    return %c0_i32, %c0_i32_0 : i32, i32
  }
  func.func @transform_3(%arg0: i32, %arg1: i32) -> (i32, i32) {
    %c0_i32 = arith.constant 0 : i32
    %c0_i32_0 = arith.constant 0 : i32
    %c0_i32_1 = arith.constant 0 : i32
    return %c0_i32, %c0_i32_0 : i32, i32
  }
  func.func @transform_4(%arg0: i32, %arg1: i32) -> (i32, i32) {
    %c0_i32 = arith.constant 0 : i32
    %c0_i32_0 = arith.constant 0 : i32
    %c0_i32_1 = arith.constant 0 : i32
    return %c0_i32, %c0_i32_0 : i32, i32
  }
  func.func @transform_5(%arg0: i32, %arg1: i32) -> (i32, i32) {
    %c0_i32 = arith.constant 0 : i32
    %c0_i32_0 = arith.constant 0 : i32
    %c0_i32_1 = arith.constant 0 : i32
    return %c0_i32, %c0_i32_0 : i32, i32
  }
  func.func @transform_6(%arg0: i32, %arg1: i32) -> (i32, i32) {
    %c0_i32 = arith.constant 0 : i32
    %c0_i32_0 = arith.constant 0 : i32
    %c0_i32_1 = arith.constant 0 : i32
    return %c0_i32, %c0_i32_0 : i32, i32
  }
  func.func @transform_7(%arg0: i32, %arg1: i32) -> (i32, i32) {
    %c0_i32 = arith.constant 0 : i32
    %c0_i32_0 = arith.constant 0 : i32
    %c0_i32_1 = arith.constant 0 : i32
    return %c0_i32, %c0_i32_0 : i32, i32
  }
  func.func @transform_8(%arg0: i32, %arg1: i32) -> (i32, i32) {
    %c0_i32 = arith.constant 0 : i32
    %c0_i32_0 = arith.constant 0 : i32
    %c0_i32_1 = arith.constant 0 : i32
    return %c0_i32, %c0_i32_0 : i32, i32
  }
  func.func @transform_9(%arg0: i32, %arg1: i32) -> (i32, i32) {
    %c0_i32 = arith.constant 0 : i32
    %c0_i32_0 = arith.constant 0 : i32
    %c0_i32_1 = arith.constant 0 : i32
    return %c0_i32, %c0_i32_0 : i32, i32
  }
  func.func @transform_10(%arg0: i32, %arg1: i32) -> (i32, i32) {
    %c0_i32 = arith.constant 0 : i32
    %c0_i32_0 = arith.constant 0 : i32
    %c0_i32_1 = arith.constant 0 : i32
    return %c0_i32, %c0_i32_0 : i32, i32
  }
  func.func @transform_11(%arg0: i32, %arg1: i32) -> (i32, i32) {
    %c0_i32 = arith.constant 0 : i32
    %c0_i32_0 = arith.constant 0 : i32
    %c0_i32_1 = arith.constant 0 : i32
    return %c0_i32, %c0_i32_0 : i32, i32
  }
  func.func @transform_12(%arg0: i32, %arg1: i32) -> (i32, i32) {
    %c0_i32 = arith.constant 0 : i32
    %c0_i32_0 = arith.constant 0 : i32
    %c0_i32_1 = arith.constant 0 : i32
    return %c0_i32, %c0_i32_0 : i32, i32
  }
  func.func @transform_13(%arg0: i32, %arg1: i32) -> (i32, i32) {
    %c0_i32 = arith.constant 0 : i32
    %c0_i32_0 = arith.constant 0 : i32
    %c0_i32_1 = arith.constant 0 : i32
    return %c0_i32, %c0_i32_0 : i32, i32
  }
  func.func @transform_14(%arg0: i32, %arg1: i32) -> (i32, i32) {
    %c0_i32 = arith.constant 0 : i32
    %c0_i32_0 = arith.constant 0 : i32
    %c0_i32_1 = arith.constant 0 : i32
    return %c0_i32, %c0_i32_0 : i32, i32
  }
  func.func @transform_15(%arg0: i32, %arg1: i32) -> (i32, i32) {
    %c0_i32 = arith.constant 0 : i32
    %c0_i32_0 = arith.constant 0 : i32
    %c0_i32_1 = arith.constant 0 : i32
    return %c0_i32, %c0_i32_0 : i32, i32
  }
  func.func @transform_16(%arg0: i32, %arg1: i32) -> (i32, i32, i32) {
    %c0_i32 = arith.constant 0 : i32
    %c0_i32_0 = arith.constant 0 : i32
    return %arg0, %arg1, %c0_i32 : i32, i32, i32
  }
  func.func @transform_17(%arg0: i32, %arg1: i32) -> (i32, i32, i32) {
    %c0_i32 = arith.constant 0 : i32
    %c0_i32_0 = arith.constant 0 : i32
    %c0_i32_1 = arith.constant 0 : i32
    return %arg0, %c0_i32, %c0_i32_0 : i32, i32, i32
  }
  func.func @transform_18(%arg0: i32, %arg1: i32) -> (i32, i32, i32) {
    %c0_i32 = arith.constant 0 : i32
    %c0_i32_0 = arith.constant 0 : i32
    %c0_i32_1 = arith.constant 0 : i32
    return %arg0, %c0_i32, %c0_i32_0 : i32, i32, i32
  }
  func.func @transform_19(%arg0: i32, %arg1: i32) -> (i32, i32) {
    %c0_i32 = arith.constant 0 : i32
    %c0_i32_0 = arith.constant 0 : i32
    %c0_i32_1 = arith.constant 0 : i32
    return %c0_i32, %c0_i32_0 : i32, i32
  }
  func.func @transform_20(%arg0: i32, %arg1: i32) -> (i32, i32) {
    %c0_i32 = arith.constant 0 : i32
    %c0_i32_0 = arith.constant 0 : i32
    %c0_i32_1 = arith.constant 0 : i32
    return %c0_i32, %c0_i32_0 : i32, i32
  }
}

</mosaic_0001>

<sc_bundles>
// kernel: kernel.4.cloned.1.call-start
scs
__scs_entry_jumppad:
0x0: {  	(pc) =	sbr.rel $0x88, $3  }
0x1: {  	(tag) =	ssettag $0x0;
	lr =	simm.s32 $0x1  }
0x2: {  	[smem:$0x3F91] =	sst lr;
	_ =	strace $0xD0000000  }
0x3: {  	_ = 	snop  }
0x4: {  	_ = 	snop  }
0x5: {  	_ = 	snop  }
0x6: {  	_ = 	snop  }
0x7: {  	_ = 	snop  }
__scs_overlays_trampoline_lowered:
0x8: {  	[smem:$0x3FA0] =	sst s0  }
0x9: {  	[smem:$0x3FA1] =	sst s1  }
0xa: {  	[smem:$0x3FA2] =	sst s2  }
0xb: {  	[smem:$0x3FA3] =	sst s3  }
0xc: {  	[smem:$0x3FA4] =	sst s4  }
0xd: {  	[smem:$0x3FA5] =	sst s5  }
0xe: {  	[smem:$0x3FA6] =	sst s6  }
0xf: {  	[smem:$0x3FA7] =	sst s7  }
0x10: {  	[smem:$0x3FA8] =	sst s8  }
0x11: {  	[smem:$0x3FA9] =	sst s9;
	s0 =	simm.s32 @!p0 $0x0  }
0x12: {  	s1 =	sld [smem:$0x3F8F];
	s0 =	simm.s32 @p0 $0x1  }
0x13: {  	[smem:$0x3FAA] =	sst s0;
	s0 =	simm.s32 @!p1 $0x0  }
0x14: {  	s2 =	sld [smem:$0x3F8E];
	s0 =	simm.s32 @p1 $0x1  }
0x15: {  	[smem:$0x3FAB] =	sst s0;
	s0 =	simm.s32 @!p2 $0x0  }
0x16: {  	s3 =	sld [smem:$0x3FDB];
	s0 =	simm.s32 @p2 $0x1  }
0x17: {  	s4 =	simm.s32 $0x1BF5;
	[smem:$0x3FAD] =	sst s0  }
0x18: {  	s0 =	sld [smem:$0x3F90];
	_ =	swait.ge [sflag:s4], $0x0  }
0x19: {  	s7 =	sld [smem:$0x3F91]  }
0x1a: {  	s8 =	sadd.s32 $0xFFFFE003, lr  }
0x1b: {  	s9 =	sadd.s32 $0xFFFFFEF7, lr;
	s5 =	simm.s32 $0xFFFFFFFF;
	p2 =	slt.u32 s8, $0xFFFFF086  }
0x1c: {  	p1 =	slt.u32 s9, $0xF7A;
	s5 =	simm.s32 @!p2 $0x0  }
0x1d: {  	s5 =	simm.s32 @p1 $0x1;
	p0 =	seq.s32 s7, s2  }
0x1e: {  	s7 =	smul.u32 @!p0 $0xF7A, s2;
	p2 =	seq.s32 @!p0 s5, $0x0  }
0x1f: {  	s9 =	smul.u32 $0xF7A, s1;
	s8 =	simm.s32 @!p0 $0x1BF5;
	p2 =	por !p2, p0  }
0x20: {  	[sflag:s8] =	ssyncset.s32 @!p0 $0xFFFFF086;
	s6 =	sadd.s32 @!p0 s3, s7;
	s7 =	simm.s32 @!p0 $0x108  }
0x21: {  	s3 =	sadd.s32 s3, s9;
	s6 =	sadd.s32 @!p0 $0x88, s6;
	s7 =	simm.s32 @p2 $0x1082  }
0x22: {  	[simem:s7], [sflag:s8] =	dma.local @!p0 [hbm:s6], $0xF7A  }
0x23: {  	s9 =	sor.u32 $0xD0000000, s2;
	s6 =	simm.s32 $0x108;
	_ =	swait.ge @!p0 [sflag:s8], $0x0  }
0x24: {  	s3 =	sadd.s32 $0x88, s3;
	s6 =	simm.s32 @!p1 $0x1082;
	[sflag:s4] =	ssyncset.s32 $0xFFFFF086  }
0x25: {  	[simem:s6], [sflag:s4] =	dma.local [hbm:s3], $0xF7A  }
0x26: {  	[smem:$0x3F91] =	sst s1;
	(tag) =	ssettag s2;
	_ =	strace s9  }
0x27: {  	s1 =	sld [smem:$0x3FA1]  }
0x28: {  	s2 =	sld [smem:$0x3FA2]  }
0x29: {  	s4 =	sld [smem:$0x3FA4]  }
0x2a: {  	p0 =	seq.s32 s5, $0x0;
	s5 =	sld [smem:$0x3FA5]  }
0x2b: {  	s6 =	sld [smem:$0x3FA6]  }
0x2c: {  	s7 =	sld [smem:$0x3FA7]  }
0x2d: {  	s3 =	simm.s32 $0x108;
	s8 =	sld [smem:$0x3FA8]  }
0x2e: {  	s3 =	simm.s32 @!p0 $0x1082;
	s9 =	sld [smem:$0x3FA9]  }
0x2f: {  	lr =	sadd.s32 s0, s3;
	s0 =	sld [smem:$0x3FA0]  }
0x30: {  	s3 =	sld [smem:$0x3FA3]  }
0x31: {  	[smem:$0x3FAC] =	sst s10  }
0x32: {  	s10 =	sld [smem:$0x3FAA];
	_ =	sdelay $0x3  }
0x33: {  	p0 =	seq.s32 s10, $0x1;
	s10 =	sld [smem:$0x3FAC];
	_ =	sdelay $0x3  }
0x34: {  	[smem:$0x3FAC] =	sst s10  }
0x35: {  	s10 =	sld [smem:$0x3FAB];
	_ =	sdelay $0x3  }
0x36: {  	p1 =	seq.s32 s10, $0x1;
	s10 =	sld [smem:$0x3FAC];
	_ =	sdelay $0x3  }
0x37: {  	[smem:$0x3FAC] =	sst s10  }
0x38: {  	s10 =	sld [smem:$0x3FAD]  }
0x39: {  	_ = 	snop;
	(pc) =	sbr.ind lr, $3  }
0x3a: {  	_ = 	snop  }
0x3b: {  	_ = 	snop  }
0x3c: {  	p2 =	seq.s32 s10, $0x1;
	s10 =	sld [smem:$0x3FAC]  }
0x3d: {  	_ =	shalt  }
0x3e: {  	_ =	shalt  }
0x3f: {  	_ =	shalt  }
0x40: {  	_ =	shalt  }
0x41: {  	_ =	shalt  }
0x42: {  	_ =	shalt  }
0x43: {  	_ =	shalt  }
0x44: {  	_ =	shalt  }
0x45: {  	_ =	shalt  }
0x46: {  	_ =	shalt  }
0x47: {  	_ =	shalt  }
0x48: {  	_ =	shalt  }
0x49: {  	_ =	shalt  }
0x4a: {  	_ =	shalt  }
0x4b: {  	_ =	shalt  }
0x4c: {  	_ =	shalt  }
0x4d: {  	_ =	shalt  }
0x4e: {  	_ =	shalt  }
0x4f: {  	_ =	shalt  }
0x50: {  	_ =	shalt  }
0x51: {  	_ =	shalt  }
0x52: {  	_ =	shalt  }
0x53: {  	_ =	shalt  }
0x54: {  	_ =	shalt  }
0x55: {  	_ =	shalt  }
0x56: {  	_ =	shalt  }
0x57: {  	_ =	shalt  }
0x58: {  	_ =	shalt  }
0x59: {  	_ =	shalt  }
0x5a: {  	_ =	shalt  }
0x5b: {  	_ =	shalt  }
0x5c: {  	_ =	shalt  }
0x5d: {  	_ =	shalt  }
0x5e: {  	_ =	shalt  }
0x5f: {  	_ =	shalt  }
0x60: {  	_ =	shalt  }
0x61: {  	_ =	shalt  }
0x62: {  	_ =	shalt  }
0x63: {  	_ =	shalt  }
0x64: {  	_ =	shalt  }
0x65: {  	_ =	shalt  }
0x66: {  	_ =	shalt  }
0x67: {  	_ =	shalt  }
0x68: {  	_ =	shalt  }
0x69: {  	_ =	shalt  }
0x6a: {  	_ =	shalt  }
0x6b: {  	_ =	shalt  }
0x6c: {  	_ =	shalt  }
0x6d: {  	_ =	shalt  }
0x6e: {  	_ =	shalt  }
0x6f: {  	_ =	shalt  }
0x70: {  	_ =	shalt  }
0x71: {  	_ =	shalt  }
0x72: {  	_ =	shalt  }
0x73: {  	_ =	shalt  }
0x74: {  	_ =	shalt  }
0x75: {  	_ =	shalt  }
0x76: {  	_ =	shalt  }
0x77: {  	_ =	shalt  }
0x78: {  	_ =	shalt  }
0x79: {  	_ =	shalt  }
0x7a: {  	_ =	shalt  }
0x7b: {  	_ =	shalt  }
0x7c: {  	_ =	shalt  }
0x7d: {  	_ =	shalt  }
0x7e: {  	_ =	shalt  }
0x7f: {  	_ =	shalt  }
0x80: {  	_ =	shalt  }
0x81: {  	_ =	shalt  }
0x82: {  	_ =	shalt  }
0x83: {  	_ =	shalt  }
0x84: {  	_ =	shalt  }
0x85: {  	_ =	shalt  }
0x86: {  	_ =	shalt  }
0x87: {  	_ =	shalt  }
.Lfunc_end0:
.L_simem_size_0:
called_computation_lowered:
.L_overlay_start_0:
0x88: {  	s2 =	sld [smem:$0x3FD9]  }
0x89: {  	s3 =	sld [smem:$0x3FFE];
	_ =	sdelay $0x1  }
0x8a: {  	s1 =	srdreg.scid  }
0x8b: {  	s0 =	sand.u32 $0x1, s1  }
0x8c: {  	s16 =	sshll.u32 s0, $0xA;
	s2 =	sadd.s32 s3, s2  }
0x8d: {  	s2 =	sadd.s32 s2, s16  }
0x8e: {  	[smem:$0x3FB8] =	sst s2  }
0x8f: {  	_ = 	snop  }
0x90: {  	(tm) =	ssettm $0x1  }
0x91: {  	s17 =	sld [smem:$0x3FFB];
	_ =	sdelay $0x3  }
0x92: {  	_ =	strace s17  }
0x93: {  	s2 =	sld [smem:$0x3FFC];
	_ =	sdelay $0x3  }
0x94: {  	_ =	strace s2  }
0x95: {  	s2 =	sld [smem:$0x3FFD];
	_ =	sdelay $0x3  }
0x96: {  	_ =	strace s2  }
0x97: {  	_ =	strace $0x8FFFFFFF  }
0x98: {  	s18 =	sld [smem:$0x3FDB];
	_ =	sdelay $0x1  }
0x99: {  	s19 =	simm.s32 $_scs_section_size  }
0x9a: {  	s4 =	simm.s32 $_size__tile_overlayer_lowered;
	s5 =	simm.s32 $_tile_overlayer_lowered  }
0x9b: {  	s22 =	simm.s32 $0x1BFF;
	s21 =	sshll.u32 s5, $0x1;
	s2 =	sadd.s32 s19, s18  }
0x9c: {  	s6 =	simm.s32 $0x0;
	s20 =	sshll.u32 s4, $0x1;
	s4 =	sadd.s32 s21, s2  }
0x9d: {  	[timem:s6], [sflag:s22] =	dma.local [hbm:s4], s20  }
0x9e: {  	_ =	swait.ge [sflag:s22], s20  }
0x9f: {  	s3 =	ssub.s32 $0x0, s20;
	[sflag:s22] =	ssyncset.done $0x0  }
0xa0: {  	[sflag:s22] =	ssyncadd.s32 s3;
	_ =	sdelay $0x1  }
0xa1: {  	s23 =	simm.s32 $0x1B8B  }
0xa2: {  	_ =	swait.ge [sflag:s23], $0x1  }
0xa3: {  	[sflag:s23] =	ssyncset.done $0x0  }
0xa4: {  	s25 =	simm.s32 $0x1B8E;
	s24 =	sld [smem:$0x3FFE];
	[sflag:s23] =	ssyncadd.s32 $0xFFFFFFFF  }
0xa5: {  	s26 =	simm.s32 $execute0_lowered;
	[smem:$0x3FD2] =	sst s25  }
0xa6: {  	s4 =	sshll.u32 s26, $0x1;
	_ =	strace $0x80000046;
	[dreg:$0x1] =	wrdreg $0xFFFFFFFF  }
0xa7: {  	s28 =	simm.s32 $_size_execute0_lowered;
	s2 =	sadd.s32 s2, s4;
	[dreg:$0x0] =	wrdreg $0x0  }
0xa8: {  	s4 =	sshll.u32 s28, $0x1;
	[dreg:$0x2] =	wrdreg s2  }
0xa9: {  	[dreg:$0x3] =	wrdreg s4  }
0xaa: {  	[dreg:$0x4] =	wrdreg $0xC0  }
0xab: {  	_ =	task [dreg:s6], $0x5FFFF  }
0xac: {  	[dreg:$0x1] =	wrdreg $0xFFFFFFFF  }
0xad: {  	[dreg:$0x0] =	wrdreg $0x60  }
0xae: {  	[dreg:$0x2] =	wrdreg s24  }
0xaf: {  	[dreg:$0x3] =	wrdreg $0x9  }
0xb0: {  	_ =	task.clear_ibuf [dreg:s6], $0x4FFFF;
	_ =	strace $0x90000046  }
0xb1: {  	s29 =	simm.s32 $0x9;
	_ =	strace $0x80000048  }
0xb2: {  	_ =	swait.ge [sflag:s29], $0x1  }
0xb3: {  	[sflag:s29] =	ssyncadd.s32 $0xFFFFFFFF  }
0xb4: {  	_ =	strace $0x90000048  }
0xb5: {  	_ =	sfence  }
0xb6: {  	s30 =	sld [smem:$0x0];
	_ =	sdelay $0x2  }
0xb7: {  	s31 =	sshll.u32 s1, $0xD;
	s1 =	sshrl.u32 s1, $0x2  }
0xb8: {  	s3 =	sand.u32 $0x4000, s31;
	s1 =	sadd.s32 s1, s30  }
0xb9: {  	s0 =	sor.u32 s3, s0;
	s1 =	sshll.u32 s1, $0x11  }
0xba: {  	s0 =	sor.u32 s1, s0  }
0xbb: {  	s0 =	sadd.s32 $0x8F2B, s0  }
0xbc: {  	[sflag:s0] =	ssyncadd.remote.s32 $0x1  }
0xbd: {  	_ =	sfence.sel $0xFFFF  }
0xbe: {  	[dreg:$0x0] =	wrdreg $0xFFFFFFFF;
	(pc) =	sbr.abs _section_cstart, $3  }
0xbf: {  	[dreg:$0x1] =	wrdreg $0xFFFFFFFF  }
0xc0: {  	_ =	task.clear_ibuf [dreg:s6], $0x2FFFF;
	_ =	strace $0x9FFFFFFF  }
0xc1: {  	(tm) =	ssettm $0x7FFFFFFF  }
tec
execute0_lowered:
.L_overlay_start_1:
0x0: {  	(tag) =	ssettag $0x1  }
0x1: {  	s1 =	stileid.u32  }
0x2: {  	p0 =	sgt.u32 s1, $0x3  }
.Ltmp0:
0x3: {  	_ = 	snop;
	(pc) =	sbr.rel @p0 .LBB2_7-.Ltmp0, $4  }
0x4: {  	_ = 	snop  }
0x5: {  	s3 =	rddreg [dreg:$0x0];
	s2 =	simm.s32 $0x0  }
0x6: {  	[smem:$0x7FF] =	sst s2  }
0x7: {  	s0 =	rddreg [dreg:$0x1];
	_ =	strace $0x80000047  }
0x8: {  	v0 =	vimm.f32 $1.500000000e+01;
	vm0 =	vcmask $0x300  }
0x9: {  	v0 =	vsel vm0, $0x0, v0;
	vm0 =	vcmask $0x704  }
0xa: {  	v0 =	vsel vm0, $0x3F800000, v0;
	vm0 =	vcmask $0xB08  }
0xb: {  	v0 =	vsel vm0, $0x40000000, v0;
	vm0 =	vcmask $0xF0C  }
0xc: {  	v0 =	vsel vm0, $0x40400000, v0;
	vm0 =	vcmask $0x1310  }
0xd: {  	v0 =	vsel vm0, $0x40800000, v0;
	vm0 =	vcmask $0x1714  }
0xe: {  	v0 =	vsel vm0, $0x40A00000, v0;
	vm0 =	vcmask $0x1B18  }
0xf: {  	s4 =	srdreg.scid;
	s5 =	sshll.u32 s1, $0x5;
	v0 =	vsel vm0, $0x40C00000, v0;
	vm0 =	vcmask $0x1F1C  }
0x10: {  	s9 =	sadd.s32 $0x2E00, s3;
	s12 =	simm.s32 $0x1;
	s13 =	simm.s32 $0x1000;
	v0 =	vsel vm0, $0x40E00000, v0;
	vm0 =	vcmask $0x2320  }
0x11: {  	s14 =	simm.s32 $0x2000;
	s15 =	simm.s32 $0x2080;
	s4 =	sand.u32 $0x1, s4;
	v0 =	vsel vm0, $0x41000000, v0;
	vm0 =	vcmask $0x2724  }
0x12: {  	s16 =	simm.s32 $0x2100;
	s6 =	sshll.u32 s4, $0x4;
	s10 =	ssub.s32 $0x2, s4;
	v0 =	vsel vm0, $0x41100000, v0;
	vm0 =	vcmask $0x2B28  }
0x13: {  	s17 =	simm.s32 $0x2180;
	s8 =	sor.u32 s6, s5;
	s11 =	sshrl.u32 s10, $0x1;
	v0 =	vsel vm0, $0x41200000, v0;
	vm0 =	vcmask $0x2F2C  }
0x14: {  	s18 =	simm.s32 $0x0;
	s7 =	sadd.s32 s8, s3;
	s10 =	ssub.s32 s10, s11;
	v0 =	vsel vm0, $0x41300000, v0;
	vm0 =	vcmask $0x3330  }
0x15: {  	s8 =	sadd.s32 s9, s8;
	s11 =	simm.s32 $0x400;
	s3 =	sadd.s32 $0x1E00, s7;
	v0 =	vsel vm0, $0x41400000, v0;
	vm0 =	vcmask $0x3734  }
0x16: {  	vm1 =	vcmask $0x3B38;
	s4 =	sadd.s32 $0x4000, s7;
	s5 =	sadd.s32 $0x3E00, s7;
	s6 =	sadd.s32 $0x4200, s7;
	v1 =	vsel vm0, $0x41500000, v0  }
0x17: {  	s7 =	sadd.s32 $0x4400, s7;
	s9 =	smax.u32 s10, $0x1;
	s10 =	simm.s32 $0x80;
	v0 =	vimm.f32 $0.0e+00;
	vm0 =	vmmov $0x1;
	v1 =	vsel vm1, $0x41600000, v1  }
.LBB2_2:
0x18: {  	s19 =	simm.s32 $0x0  }
0x19: {  	[tilespmem:s19], [sflag:$0x1] =	stream.strided.gather [hbm4b:s8+s10], $0x1000, s11, s10, $0x38;
	[tilespmem:$0x2280] =	vst v63  }
0x1a: {  	_ =	swait.ge [sflag:s12], $0x1000  }
0x1b: {  	[sflag:s12] =	ssyncset.done $0x0  }
0x1c: {  	[sflag:s12] =	ssyncadd.s32 $0xFFFFF000  }
0x1d: {  	[tilespmem:s13], [sflag:$0x1] =	stream.strided.gather [hbm4b:s3+s10], $0x1000, s11, s10, $0x38;
	[tilespmem:$0x2280] =	vst v63  }
0x1e: {  	_ =	swait.ge [sflag:s12], $0x1000  }
0x1f: {  	[sflag:s12] =	ssyncset.done $0x0  }
0x20: {  	[sflag:s12] =	ssyncadd.s32 $0xFFFFF000  }
0x21: {  	[tilespmem:s14], [sflag:$0x1] =	stream.linear.gather [hbm4b:s4+s19], $0x80, $0x38;
	[tilespmem:$0x2280] =	vst v63  }
0x22: {  	_ =	swait.ge [sflag:s12], $0x80  }
0x23: {  	[sflag:s12] =	ssyncset.done $0x0  }
0x24: {  	[sflag:s12] =	ssyncadd.s32 $0xFFFFFF80  }
0x25: {  	[tilespmem:s15], [sflag:$0x1] =	stream.linear.gather [hbm4b:s5+s19], $0x80, $0x38;
	[tilespmem:$0x2280] =	vst v63  }
0x26: {  	_ =	swait.ge [sflag:s12], $0x80  }
0x27: {  	[sflag:s12] =	ssyncset.done $0x0  }
0x28: {  	[sflag:s12] =	ssyncadd.s32 $0xFFFFFF80  }
0x29: {  	s20 =	simm.s32 $0x0;
	v2 =	vld [tilespmem:$0x2000]  }
0x2a: {  	v4 =	vld [tilespmem:s20+$0x0]  }
0x2b: {  	v3 =	vimm.f32 $0.0e+00;
	s19 =	simm.s32 $0x40  }
.LBB2_3:
0x2c: {  	p0 =	sne.s32 s19, $0x3FC0  }
.Ltmp1:
0x2d: {  	_ = 	snop;
	(pc) =	sbr.rel @p0 .LBB2_3-.Ltmp1, $4  }
0x2e: {  	_ = 	snop  }
0x2f: {  	s20 =	sshra.s32 s19, $0x2;
	s19 =	sadd.s32 $0x40, s19;
	vm1 =	vle.f32 v4, v2  }
0x30: {  	v4 =	vld [tilespmem:s20+$0x0];
	v5 =	vsel vm1, $0x3F800000, v0  }
0x31: {  	v3 =	vadd.f32 v5, v3  }
0x32: {  	_ =	sdelay $0x2  }
0x33: {  	vm1 =	vle.f32 v4, v2  }
0x34: {  	v2 =	vsel vm1, $0x3F800000, v0  }
0x35: {  	v3 =	vadd.f32 v2, v3;
	v2 =	vimm.f32 $0.0e+00  }
0x36: {  	[tilespmem:$0x2210] =	vst v2  }
0x37: {  	[tilespmem:$0x2200] =	vst v3  }
0x38: {  	v4 =	vld [tilespmem:$0x2208];
	_ =	sdelay $0x4  }
0x39: {  	v3 =	vadd.f32 v4, v3;
	_ =	sdelay $0x1  }
0x3a: {  	[tilespmem:$0x2200] =	vst v3  }
0x3b: {  	v4 =	vld [tilespmem:$0x2204];
	_ =	sdelay $0x4  }
0x3c: {  	v3 =	vadd.f32 v4, v3;
	_ =	sdelay $0x1  }
0x3d: {  	[tilespmem:$0x2200] =	vst v3  }
0x3e: {  	v4 =	vld [tilespmem:$0x2202];
	_ =	sdelay $0x4  }
0x3f: {  	v3 =	vadd.f32 v4, v3;
	_ =	sdelay $0x1  }
0x40: {  	[tilespmem:$0x2200] =	vst v3  }
0x41: {  	v4 =	vld [tilespmem:$0x2201];
	_ =	sdelay $0x4  }
0x42: {  	v3 =	vadd.f32 v4, v3;
	_ =	sdelay $0x1  }
0x43: {  	[tilespmem:$0x2200] =	vst v2;
	v3 =	vnsel vm0, $0x0, v3  }
0x44: {  	[tilespmem:$0x2201] =	vst v3  }
0x45: {  	v4 =	vld [tilespmem:$0x2200];
	_ =	sdelay $0x4  }
0x46: {  	v3 =	vadd.f32 v4, v3  }
0x47: {  	[tilespmem:$0x2200] =	vst v2  }
0x48: {  	[tilespmem:$0x2202] =	vst v3  }
0x49: {  	v4 =	vld [tilespmem:$0x2200];
	_ =	sdelay $0x4  }
0x4a: {  	v3 =	vadd.f32 v4, v3  }
0x4b: {  	[tilespmem:$0x2200] =	vst v2  }
0x4c: {  	[tilespmem:$0x2204] =	vst v3  }
0x4d: {  	v4 =	vld [tilespmem:$0x2200];
	_ =	sdelay $0x4  }
0x4e: {  	v3 =	vadd.f32 v4, v3  }
0x4f: {  	[tilespmem:$0x2200] =	vst v2  }
0x50: {  	[tilespmem:$0x2208] =	vst v3  }
0x51: {  	v4 =	vld [tilespmem:$0x2200];
	_ =	sdelay $0x3  }
0x52: {  	s20 =	simm.s32 $0x0  }
0x53: {  	v3 =	vadd.f32 v4, v3;
	v4 =	vld [tilespmem:s20+$0x1000];
	_ =	sdelay $0x1  }
0x54: {  	vm1 =	vge.f32 v3, $4.096000000e+03  }
0x55: {  	v3 =	vsel vm1, $0x0, v3  }
0x56: {  	s19 =	simm.s32 $0x40;
	v5 =	vmov v1;
	vm1 =	veq.f32 v1, v3  }
.LBB2_5:
0x57: {  	s20 =	sshra.s32 s19, $0x2;
	p0 =	sne.s32 s19, $0x3FC0;
	s19 =	sadd.s32 $0x40, s19;
	v6 =	vnsel vm1, $0x0, v4  }
.Ltmp2:
0x58: {  	v4 =	vld [tilespmem:s20+$0x1000];
	v2 =	vadd.f32 v6, v2;
	(pc) =	sbr.rel @p0 .LBB2_5-.Ltmp2, $3  }
0x59: {  	_ = 	snop  }
0x5a: {  	v5 =	vadd.f32 $1.600000000e+01, v5;
	_ =	sdelay $0x1  }
0x5b: {  	vm1 =	veq.f32 v5, v3  }
0x5c: {  	v5 =	vld [tilespmem:$0x2080];
	_ =	sdelay $0x1  }
0x5d: {  	v4 =	vnsel vm1, $0x0, v4  }
0x5e: {  	v3 =	vtrunc.f32 v3;
	v2 =	vadd.f32 v4, v2  }
0x5f: {  	v3 =	vcvt.f32.s32 v3  }
0x60: {  	v2 =	vmul.f32 v5, v2  }
0x61: {  	[tilespmem:$0x2100] =	vst v3  }
0x62: {  	[tilespmem:$0x2180] =	vst v2  }
0x63: {  	[hbm4b:s6+s2] =	stream.linear.scatter [tilespmem:s16], [sflag:$0x1], $0x80, $0x38;
	[tilespmem:$0x2280] =	vst v63  }
0x64: {  	s18 =	sadd.s32 $0x1, s18;
	_ =	swait.ge [sflag:s12], $0x80  }
0x65: {  	p0 =	sne.s32 s18, s9;
	[sflag:s12] =	ssyncset.done $0x0  }
.Ltmp3:
0x66: {  	[sflag:s12] =	ssyncadd.s32 $0xFFFFFF80;
	(pc) =	sbr.rel @p0 .LBB2_2-.Ltmp3, $4  }
0x67: {  	[hbm4b:s7+s2] =	stream.linear.scatter [tilespmem:s17], [sflag:$0x1], $0x80, $0x38;
	[tilespmem:$0x2280] =	vst v63  }
0x68: {  	_ =	swait.ge [sflag:s12], $0x80  }
0x69: {  	[sflag:s12] =	ssyncset.done $0x0  }
0x6a: {  	[sflag:s12] =	ssyncadd.s32 $0xFFFFFF80  }
.LBB2_7:
0x6b: {  	_ =	sfence.sel $0x180000  }
0x6c: {  	[bflag:$0x0] =	sbarrier.arrive $0xFFFF  }
0x6d: {  	p0 =	sne.s32 s1, $0x0;
	_ =	strace $0x90000047  }
0x6e: {  	s0 =	sadd.s32 @!p0 $0x100000, s0;
	[bflag:$0x2] =	sbarrier.arrive $0xFFFF  }
0x6f: {  	[sflag:s0] =	ssyncadd.tile.s32 @!p0 $0x1;
	_ =	shalt  }
.Lfunc_end2:
_tile_overlayer_lowered:
.L_overlay_start_2:
0x70: {  	(tag) =	ssettag $0x2  }
0x71: {  	s0 =	rddreg [dreg:$0x0];
	s2 =	stileid.u32  }
0x72: {  	s1 =	rddreg [dreg:$0x1];
	p0 =	sne.s32 s2, $0x0  }
0x73: {  	s3 =	rddreg [dreg:$0x2];
	[bflag:$0x3] =	sbarrier.arrive $0xFFFF;
	s2 =	simm.s32 @!p0 $0x1C01  }
0x74: {  	[timem:s3], [sflag:s2] =	dma.local @!p0 [hbm:s0], s1  }
0x75: {  	s0 =	simm.s32 @!p0 $0x1  }
0x76: {  	_ =	swait.ge @!p0 [sflag:s0], s1  }
0x77: {  	s1 =	ssub.s32 @!p0 $0x0, s1;
	[sflag:s0] =	ssyncset.done @!p0 $0x0  }
0x78: {  	[sflag:s0] =	ssyncadd.s32 @!p0 s1  }
0x79: {  	[bflag:$0x3] =	sbarrier.arrive $0xFFFF  }
0x7a: {  	_ =	shalt  }

</sc_bundles>
